<compile_context>
chip_gen: v7x
topology: tpu7x:2x2x1
jax: 0.10.2.dev20260603
libtpu: 0.0.44.dev20260713+nightly
codegen_flags: <defaults>
</compile_context>

<pallas_src>
import functools

import jax
import jax.numpy as jnp
from jax import lax
from jax.experimental import pallas as pl
from jax.experimental.pallas import tpu as pltpu
from jax.experimental.pallas import tpu_sc as plsc

_NUM_CLASSES = 1000
_EMBED_DIM = 128
_BATCH = 16384

_NC = 2
_NS = 16
_NW = _NC * _NS
_B_PER_W = _BATCH // _NW
_IDX_MINOR = 128
_N_CHUNKS = _B_PER_W // _IDX_MINOR
_ROWS_PAD = 1024
_LANES = 16
_TAB_PER_S = _ROWS_PAD // _NS

_mesh = plsc.VectorSubcoreMesh(core_axis_name="c", subcore_axis_name="s")


@functools.partial(
    pl.kernel,
    out_type=jax.ShapeDtypeStruct((_BATCH, _EMBED_DIM), jnp.float32),
    mesh=_mesh,
    scratch_types=[
        pltpu.VMEM((_N_CHUNKS, _IDX_MINOR), jnp.int32),
        pltpu.VMEM((_B_PER_W, _EMBED_DIM), jnp.float32),
        pltpu.VMEM_SHARED((_ROWS_PAD, _EMBED_DIM), jnp.float32),
        pltpu.SemaphoreType.DMA,
        pltpu.SemaphoreType.DMA,
        pltpu.SemaphoreType.DMA,
    ],
)
def _embed_lookup(table_hbm, x_hbm, out_hbm, idx_v, rows_v, tab_sp,
                  sem_t, sem_g, sem_o):
    s = lax.axis_index("s")
    wid = s * _NC + lax.axis_index("c")
    base = wid * _B_PER_W

    tab_cp = pltpu.async_copy(
        table_hbm.at[pl.ds(s * _TAB_PER_S, _TAB_PER_S)],
        tab_sp.at[pl.ds(s * _TAB_PER_S, _TAB_PER_S)],
        sem_t,
    )
    pltpu.sync_copy(x_hbm.at[wid], idx_v)

    for j in range(_N_CHUNKS):
        for i in range(_IDX_MINOR // _LANES):
            sl = pl.ds(i * _LANES, _LANES)
            idx_v[j, sl] = jnp.bitwise_and(idx_v[j, sl], _ROWS_PAD - 1)

    tab_cp.wait()
    plsc.subcore_barrier()

    gathers = []
    for j in range(_N_CHUNKS):
        gathers.append(
            pltpu.async_copy(
                tab_sp.at[idx_v.at[j]],
                rows_v.at[pl.ds(j * _IDX_MINOR, _IDX_MINOR)],
                sem_g,
            )
        )
    outs = []
    for j in range(_N_CHUNKS):
        gathers[j].wait()
        outs.append(
            pltpu.async_copy(
                rows_v.at[pl.ds(j * _IDX_MINOR, _IDX_MINOR)],
                out_hbm.at[pl.ds(base + j * _IDX_MINOR, _IDX_MINOR)],
                sem_o,
            )
        )
    for cp in outs:
        cp.wait()


def kernel(x, table, null_embedding):
    x32 = x.astype(jnp.int32).reshape(_NW, _N_CHUNKS, _IDX_MINOR)
    pad = jnp.zeros((_ROWS_PAD - _NUM_CLASSES - 1, _EMBED_DIM), jnp.float32)
    table_ext = jnp.concatenate([table, pad, null_embedding], axis=0)
    return _embed_lookup(table_ext, x32)

# --- scband reference (transcript-rebuilt; emitter-appended) ---
"""Pipeline reference for scband-conditional-embedding-65712999629579 (READ-ONLY COPY).

The authoritative reference and input builder live on the scoring server;
editing this copy changes nothing except your own understanding.
"""

import jax, jax.numpy as jnp
import numpy as np

NUM_CLASSES = 1000
EMBED_DIM = 128
BATCH = 16384

def setup_inputs(seed: int = 0) -> dict:
    key = jax.random.key(seed)
    k1, k2, k3 = jax.random.split(key, 3)
    x = jax.random.randint(k1, (BATCH,), 0, NUM_CLASSES, dtype=jnp.int64)
    # sprinkle some -1 (null / classifier-free guidance dropped labels)
    drop = jax.random.bernoulli(k3, 0.1, (BATCH,))
    x = jnp.where(drop, -1, x)
    table = jax.random.normal(k2, (NUM_CLASSES, EMBED_DIM), dtype=jnp.float32)
    null_embedding = jnp.zeros((1, EMBED_DIM), dtype=jnp.float32)
    return {"x": x, "table": table, "null_embedding": null_embedding}

def reference(x, table, null_embedding):
    # mask = x == -1; x[mask] = 0 (functional equivalent)
    mask = x == -1
    x_safe = jnp.where(mask, 0, x)
    # embeddings = self.embedding(x)
    embeddings = jnp.take(table, x_safe, axis=0)
    # embeddings[mask] = self.null_embedding
    embeddings = jnp.where(mask[:, None], null_embedding, embeddings)
    return embeddings

if __name__ == "__main__":
    import jax
    _d = setup_inputs()
    print(jax.jit(kernel)(*tuple(_d.values())))

</pallas_src>

<mosaic_0001>
#map = affine_map<(d0, d1) -> (0, 0)>
#map1 = affine_map<(d0, d1) -> (0, 0, 0)>
module attributes {stable_mosaic.version = 14 : i64} {
  func.func @_embed_lookup(%arg0: i32, %arg1: i32, %arg2: memref<1024x128xf32, #tpu.memory_space<hbm>>, %arg3: memref<32x4x128xi32, #tpu.memory_space<hbm>>, %arg4: memref<16384x128xf32, #tpu.memory_space<hbm>>, %arg5: memref<4x128xi32, #tpu.memory_space<vmem>>, %arg6: memref<512x128xf32, #tpu.memory_space<vmem>>, %arg7: memref<1024x128xf32, #tpu.memory_space<vmem_shared>>, %arg8: memref<!tpu.dma_semaphore, #tpu.memory_space<semaphore_mem>>, %arg9: memref<!tpu.dma_semaphore, #tpu.memory_space<semaphore_mem>>, %arg10: memref<!tpu.dma_semaphore, #tpu.memory_space<semaphore_mem>>) attributes {dimension_semantics = [#tpu.dimension_semantics<core_parallel>, #tpu.dimension_semantics<subcore_parallel>], iteration_bounds = array<i64: 2, 16>, scalar_prefetch = 0 : i64, scratch_operands = 6 : i64, tpu.core_type = #tpu.core_type<sc_vector_subcore>, window_params = [{transform_indices = #map}, {transform_indices = #map1}, {transform_indices = #map}]} {
    %mul3A = arith.constant 2 : i32
    %mul3A_0 = arith.muli %arg1, %mul3A : i32
    %add3A = arith.addi %mul3A_0, %arg0 : i32
    %mul3A_1 = arith.constant 512 : i32
    %mul3A_2 = arith.muli %add3A, %mul3A_1 : i32
    %mul3A_3 = arith.constant 64 : i32
    %mul3A_4 = arith.muli %arg1, %mul3A_3 : i32
    %mul3A_5 = arith.constant 64 : i32
    %mul3A_6 = arith.muli %arg1, %mul3A_5 : i32
    %dma_start3A = arith.constant 0 : i32
    %dma_start3A_7 = tpu.memref_slice %arg7[%mul3A_6, %dma_start3A] : memref<1024x128xf32, #tpu.memory_space<vmem_shared>> -> memref<64x128xf32, #tpu.memory_space<vmem_shared>>
    %dma_start3A_8 = arith.constant 0 : i32
    %dma_start3A_9 = tpu.memref_slice %arg2[%mul3A_4, %dma_start3A_8] : memref<1024x128xf32, #tpu.memory_space<hbm>> -> memref<64x128xf32, #tpu.memory_space<hbm>>
    tpu.enqueue_dma source(%dma_start3A_9 : memref<64x128xf32, #tpu.memory_space<hbm>>) target(%dma_start3A_7 : memref<64x128xf32, #tpu.memory_space<vmem_shared>>) target_semaphore(%arg8 : memref<!tpu.dma_semaphore, #tpu.memory_space<semaphore_mem>>)
    "tpu.region"() ({
      %run_scoped3A = tpu.sem_alloc : memref<!tpu.dma_semaphore, #tpu.memory_space<semaphore_mem>>
      %dma_start3A_626 = arith.constant 0 : i32
      %dma_start3A_627 = arith.constant 0 : i32
      %dma_start3A_628 = tpu.memref_slice %arg3[%add3A, %dma_start3A_626, %dma_start3A_627] : memref<32x4x128xi32, #tpu.memory_space<hbm>> -> memref<1x4x128xi32, #tpu.memory_space<hbm>>
      %dma_start3A_629 = tpu.memref_squeeze %dma_start3A_628 : memref<1x4x128xi32, #tpu.memory_space<hbm>> -> memref<4x128xi32, #tpu.memory_space<hbm>>
      %dma_start3A_630 = arith.constant 0 : i32
      %dma_start3A_631 = arith.constant 0 : i32
      %dma_start3A_632 = tpu.memref_slice %arg3[%add3A, %dma_start3A_630, %dma_start3A_631] : memref<32x4x128xi32, #tpu.memory_space<hbm>> -> memref<1x4x128xi32, #tpu.memory_space<hbm>>
      %dma_start3A_633 = tpu.memref_squeeze %dma_start3A_632 : memref<1x4x128xi32, #tpu.memory_space<hbm>> -> memref<4x128xi32, #tpu.memory_space<hbm>>
      tpu.enqueue_dma source(%dma_start3A_633 : memref<4x128xi32, #tpu.memory_space<hbm>>) target(%arg5 : memref<4x128xi32, #tpu.memory_space<vmem>>) target_semaphore(%run_scoped3A : memref<!tpu.dma_semaphore, #tpu.memory_space<semaphore_mem>>)
      %dma_wait3A_634 = arith.constant 0 : i32
      %dma_wait3A_635 = arith.constant 0 : i32
      %dma_wait3A_636 = tpu.memref_slice %arg3[%add3A, %dma_wait3A_634, %dma_wait3A_635] : memref<32x4x128xi32, #tpu.memory_space<hbm>> -> memref<1x4x128xi32, #tpu.memory_space<hbm>>
      %dma_wait3A_637 = tpu.memref_squeeze %dma_wait3A_636 : memref<1x4x128xi32, #tpu.memory_space<hbm>> -> memref<4x128xi32, #tpu.memory_space<hbm>>
      %dma_wait3A_638 = arith.constant 0 : i32
      %dma_wait3A_639 = arith.constant 0 : i32
      %dma_wait3A_640 = tpu.memref_slice %arg3[%add3A, %dma_wait3A_638, %dma_wait3A_639] : memref<32x4x128xi32, #tpu.memory_space<hbm>> -> memref<1x4x128xi32, #tpu.memory_space<hbm>>
      %dma_wait3A_641 = tpu.memref_squeeze %dma_wait3A_640 : memref<1x4x128xi32, #tpu.memory_space<hbm>> -> memref<4x128xi32, #tpu.memory_space<hbm>>
      tpu.wait_dma2 semaphore(%run_scoped3A : memref<!tpu.dma_semaphore, #tpu.memory_space<semaphore_mem>>) src(%dma_wait3A_641 : memref<4x128xi32, #tpu.memory_space<hbm>>) dst(%arg5 : memref<4x128xi32, #tpu.memory_space<vmem>>)
      tpu.yield
    }) : () -> ()
    %get3A = arith.constant 0 : i32
    %get3A_10 = arith.index_cast %get3A : i32 to index
    %get3A_11 = arith.constant 0 : index
    %get3A_12 = tpu.vector_load %arg5[%get3A_10, %get3A_11] {strides = array<i32>} : memref<4x128xi32, #tpu.memory_space<vmem>>, vector<1x16xi32>,
    %get3A_13 = vector.shape_cast %get3A_12 : vector<1x16xi32> to vector<16xi32>
    %and3A = arith.constant 1023 : i32
    %and3A_14 = vector.broadcast %and3A : i32 to vector<16xi32>
    %and3A_15 = arith.andi %get3A_13, %and3A_14 : vector<16xi32>
    %swap3A = arith.constant 0 : i32
    %swap3A_16 = arith.index_cast %swap3A : i32 to index
    %swap3A_17 = arith.constant 0 : index
    %swap3A_18 = tpu.vector_load %arg5[%swap3A_16, %swap3A_17] {strides = array<i32>} : memref<4x128xi32, #tpu.memory_space<vmem>>, vector<1x16xi32>,
    %swap3A_19 = vector.shape_cast %swap3A_18 : vector<1x16xi32> to vector<16xi32>
    %swap3A_20 = vector.shape_cast %and3A_15 : vector<16xi32> to vector<1x16xi32>
    tpu.vector_store %arg5[%swap3A_16, %swap3A_17], %swap3A_20 {strides = array<i32>} : memref<4x128xi32, #tpu.memory_space<vmem>>, vector<1x16xi32>,
    %get3A_21 = arith.constant 0 : i32
    %get3A_22 = arith.index_cast %get3A_21 : i32 to index
    %get3A_23 = arith.constant 16 : index
    %get3A_24 = tpu.vector_load %arg5[%get3A_22, %get3A_23] {strides = array<i32>} : memref<4x128xi32, #tpu.memory_space<vmem>>, vector<1x16xi32>,
    %get3A_25 = vector.shape_cast %get3A_24 : vector<1x16xi32> to vector<16xi32>
    %and3A_26 = arith.constant 1023 : i32
    %and3A_27 = vector.broadcast %and3A_26 : i32 to vector<16xi32>
    %and3A_28 = arith.andi %get3A_25, %and3A_27 : vector<16xi32>
    %swap3A_29 = arith.constant 0 : i32
    %swap3A_30 = arith.index_cast %swap3A_29 : i32 to index
    %swap3A_31 = arith.constant 16 : index
    %swap3A_32 = tpu.vector_load %arg5[%swap3A_30, %swap3A_31] {strides = array<i32>} : memref<4x128xi32, #tpu.memory_space<vmem>>, vector<1x16xi32>,
    %swap3A_33 = vector.shape_cast %swap3A_32 : vector<1x16xi32> to vector<16xi32>
    %swap3A_34 = vector.shape_cast %and3A_28 : vector<16xi32> to vector<1x16xi32>
    tpu.vector_store %arg5[%swap3A_30, %swap3A_31], %swap3A_34 {strides = array<i32>} : memref<4x128xi32, #tpu.memory_space<vmem>>, vector<1x16xi32>,
    %get3A_35 = arith.constant 0 : i32
    %get3A_36 = arith.index_cast %get3A_35 : i32 to index
    %get3A_37 = arith.constant 32 : index
    %get3A_38 = tpu.vector_load %arg5[%get3A_36, %get3A_37] {strides = array<i32>} : memref<4x128xi32, #tpu.memory_space<vmem>>, vector<1x16xi32>,
    %get3A_39 = vector.shape_cast %get3A_38 : vector<1x16xi32> to vector<16xi32>
    %and3A_40 = arith.constant 1023 : i32
    %and3A_41 = vector.broadcast %and3A_40 : i32 to vector<16xi32>
    %and3A_42 = arith.andi %get3A_39, %and3A_41 : vector<16xi32>
    %swap3A_43 = arith.constant 0 : i32
    %swap3A_44 = arith.index_cast %swap3A_43 : i32 to index
    %swap3A_45 = arith.constant 32 : index
    %swap3A_46 = tpu.vector_load %arg5[%swap3A_44, %swap3A_45] {strides = array<i32>} : memref<4x128xi32, #tpu.memory_space<vmem>>, vector<1x16xi32>,
    %swap3A_47 = vector.shape_cast %swap3A_46 : vector<1x16xi32> to vector<16xi32>
    %swap3A_48 = vector.shape_cast %and3A_42 : vector<16xi32> to vector<1x16xi32>
    tpu.vector_store %arg5[%swap3A_44, %swap3A_45], %swap3A_48 {strides = array<i32>} : memref<4x128xi32, #tpu.memory_space<vmem>>, vector<1x16xi32>,
    %get3A_49 = arith.constant 0 : i32
    %get3A_50 = arith.index_cast %get3A_49 : i32 to index
    %get3A_51 = arith.constant 48 : index
    %get3A_52 = tpu.vector_load %arg5[%get3A_50, %get3A_51] {strides = array<i32>} : memref<4x128xi32, #tpu.memory_space<vmem>>, vector<1x16xi32>,
    %get3A_53 = vector.shape_cast %get3A_52 : vector<1x16xi32> to vector<16xi32>
    %and3A_54 = arith.constant 1023 : i32
    %and3A_55 = vector.broadcast %and3A_54 : i32 to vector<16xi32>
    %and3A_56 = arith.andi %get3A_53, %and3A_55 : vector<16xi32>
    %swap3A_57 = arith.constant 0 : i32
    %swap3A_58 = arith.index_cast %swap3A_57 : i32 to index
    %swap3A_59 = arith.constant 48 : index
    %swap3A_60 = tpu.vector_load %arg5[%swap3A_58, %swap3A_59] {strides = array<i32>} : memref<4x128xi32, #tpu.memory_space<vmem>>, vector<1x16xi32>,
    %swap3A_61 = vector.shape_cast %swap3A_60 : vector<1x16xi32> to vector<16xi32>
    %swap3A_62 = vector.shape_cast %and3A_56 : vector<16xi32> to vector<1x16xi32>
    tpu.vector_store %arg5[%swap3A_58, %swap3A_59], %swap3A_62 {strides = array<i32>} : memref<4x128xi32, #tpu.memory_space<vmem>>, vector<1x16xi32>,
    %get3A_63 = arith.constant 0 : i32
    %get3A_64 = arith.index_cast %get3A_63 : i32 to index
    %get3A_65 = arith.constant 64 : index
    %get3A_66 = tpu.vector_load %arg5[%get3A_64, %get3A_65] {strides = array<i32>} : memref<4x128xi32, #tpu.memory_space<vmem>>, vector<1x16xi32>,
    %get3A_67 = vector.shape_cast %get3A_66 : vector<1x16xi32> to vector<16xi32>
    %and3A_68 = arith.constant 1023 : i32
    %and3A_69 = vector.broadcast %and3A_68 : i32 to vector<16xi32>
    %and3A_70 = arith.andi %get3A_67, %and3A_69 : vector<16xi32>
    %swap3A_71 = arith.constant 0 : i32
    %swap3A_72 = arith.index_cast %swap3A_71 : i32 to index
    %swap3A_73 = arith.constant 64 : index
    %swap3A_74 = tpu.vector_load %arg5[%swap3A_72, %swap3A_73] {strides = array<i32>} : memref<4x128xi32, #tpu.memory_space<vmem>>, vector<1x16xi32>,
    %swap3A_75 = vector.shape_cast %swap3A_74 : vector<1x16xi32> to vector<16xi32>
    %swap3A_76 = vector.shape_cast %and3A_70 : vector<16xi32> to vector<1x16xi32>
    tpu.vector_store %arg5[%swap3A_72, %swap3A_73], %swap3A_76 {strides = array<i32>} : memref<4x128xi32, #tpu.memory_space<vmem>>, vector<1x16xi32>,
    %get3A_77 = arith.constant 0 : i32
    %get3A_78 = arith.index_cast %get3A_77 : i32 to index
    %get3A_79 = arith.constant 80 : index
    %get3A_80 = tpu.vector_load %arg5[%get3A_78, %get3A_79] {strides = array<i32>} : memref<4x128xi32, #tpu.memory_space<vmem>>, vector<1x16xi32>,
    %get3A_81 = vector.shape_cast %get3A_80 : vector<1x16xi32> to vector<16xi32>
    %and3A_82 = arith.constant 1023 : i32
    %and3A_83 = vector.broadcast %and3A_82 : i32 to vector<16xi32>
    %and3A_84 = arith.andi %get3A_81, %and3A_83 : vector<16xi32>
    %swap3A_85 = arith.constant 0 : i32
    %swap3A_86 = arith.index_cast %swap3A_85 : i32 to index
    %swap3A_87 = arith.constant 80 : index
    %swap3A_88 = tpu.vector_load %arg5[%swap3A_86, %swap3A_87] {strides = array<i32>} : memref<4x128xi32, #tpu.memory_space<vmem>>, vector<1x16xi32>,
    %swap3A_89 = vector.shape_cast %swap3A_88 : vector<1x16xi32> to vector<16xi32>
    %swap3A_90 = vector.shape_cast %and3A_84 : vector<16xi32> to vector<1x16xi32>
    tpu.vector_store %arg5[%swap3A_86, %swap3A_87], %swap3A_90 {strides = array<i32>} : memref<4x128xi32, #tpu.memory_space<vmem>>, vector<1x16xi32>,
    %get3A_91 = arith.constant 0 : i32
    %get3A_92 = arith.index_cast %get3A_91 : i32 to index
    %get3A_93 = arith.constant 96 : index
    %get3A_94 = tpu.vector_load %arg5[%get3A_92, %get3A_93] {strides = array<i32>} : memref<4x128xi32, #tpu.memory_space<vmem>>, vector<1x16xi32>,
    %get3A_95 = vector.shape_cast %get3A_94 : vector<1x16xi32> to vector<16xi32>
    %and3A_96 = arith.constant 1023 : i32
    %and3A_97 = vector.broadcast %and3A_96 : i32 to vector<16xi32>
    %and3A_98 = arith.andi %get3A_95, %and3A_97 : vector<16xi32>
    %swap3A_99 = arith.constant 0 : i32
    %swap3A_100 = arith.index_cast %swap3A_99 : i32 to index
    %swap3A_101 = arith.constant 96 : index
    %swap3A_102 = tpu.vector_load %arg5[%swap3A_100, %swap3A_101] {strides = array<i32>} : memref<4x128xi32, #tpu.memory_space<vmem>>, vector<1x16xi32>,
    %swap3A_103 = vector.shape_cast %swap3A_102 : vector<1x16xi32> to vector<16xi32>
    %swap3A_104 = vector.shape_cast %and3A_98 : vector<16xi32> to vector<1x16xi32>
    tpu.vector_store %arg5[%swap3A_100, %swap3A_101], %swap3A_104 {strides = array<i32>} : memref<4x128xi32, #tpu.memory_space<vmem>>, vector<1x16xi32>,
    %get3A_105 = arith.constant 0 : i32
    %get3A_106 = arith.index_cast %get3A_105 : i32 to index
    %get3A_107 = arith.constant 112 : index
    %get3A_108 = tpu.vector_load %arg5[%get3A_106, %get3A_107] {strides = array<i32>} : memref<4x128xi32, #tpu.memory_space<vmem>>, vector<1x16xi32>,
    %get3A_109 = vector.shape_cast %get3A_108 : vector<1x16xi32> to vector<16xi32>
    %and3A_110 = arith.constant 1023 : i32
    %and3A_111 = vector.broadcast %and3A_110 : i32 to vector<16xi32>
    %and3A_112 = arith.andi %get3A_109, %and3A_111 : vector<16xi32>
    %swap3A_113 = arith.constant 0 : i32
    %swap3A_114 = arith.index_cast %swap3A_113 : i32 to index
    %swap3A_115 = arith.constant 112 : index
    %swap3A_116 = tpu.vector_load %arg5[%swap3A_114, %swap3A_115] {strides = array<i32>} : memref<4x128xi32, #tpu.memory_space<vmem>>, vector<1x16xi32>,
    %swap3A_117 = vector.shape_cast %swap3A_116 : vector<1x16xi32> to vector<16xi32>
    %swap3A_118 = vector.shape_cast %and3A_112 : vector<16xi32> to vector<1x16xi32>
    tpu.vector_store %arg5[%swap3A_114, %swap3A_115], %swap3A_118 {strides = array<i32>} : memref<4x128xi32, #tpu.memory_space<vmem>>, vector<1x16xi32>,
    %get3A_119 = arith.constant 1 : i32
    %get3A_120 = arith.index_cast %get3A_119 : i32 to index
    %get3A_121 = arith.constant 0 : index
    %get3A_122 = tpu.vector_load %arg5[%get3A_120, %get3A_121] {strides = array<i32>} : memref<4x128xi32, #tpu.memory_space<vmem>>, vector<1x16xi32>,
    %get3A_123 = vector.shape_cast %get3A_122 : vector<1x16xi32> to vector<16xi32>
    %and3A_124 = arith.constant 1023 : i32
    %and3A_125 = vector.broadcast %and3A_124 : i32 to vector<16xi32>
    %and3A_126 = arith.andi %get3A_123, %and3A_125 : vector<16xi32>
    %swap3A_127 = arith.constant 1 : i32
    %swap3A_128 = arith.index_cast %swap3A_127 : i32 to index
    %swap3A_129 = arith.constant 0 : index
    %swap3A_130 = tpu.vector_load %arg5[%swap3A_128, %swap3A_129] {strides = array<i32>} : memref<4x128xi32, #tpu.memory_space<vmem>>, vector<1x16xi32>,
    %swap3A_131 = vector.shape_cast %swap3A_130 : vector<1x16xi32> to vector<16xi32>
    %swap3A_132 = vector.shape_cast %and3A_126 : vector<16xi32> to vector<1x16xi32>
    tpu.vector_store %arg5[%swap3A_128, %swap3A_129], %swap3A_132 {strides = array<i32>} : memref<4x128xi32, #tpu.memory_space<vmem>>, vector<1x16xi32>,
    %get3A_133 = arith.constant 1 : i32
    %get3A_134 = arith.index_cast %get3A_133 : i32 to index
    %get3A_135 = arith.constant 16 : index
    %get3A_136 = tpu.vector_load %arg5[%get3A_134, %get3A_135] {strides = array<i32>} : memref<4x128xi32, #tpu.memory_space<vmem>>, vector<1x16xi32>,
    %get3A_137 = vector.shape_cast %get3A_136 : vector<1x16xi32> to vector<16xi32>
    %and3A_138 = arith.constant 1023 : i32
    %and3A_139 = vector.broadcast %and3A_138 : i32 to vector<16xi32>
    %and3A_140 = arith.andi %get3A_137, %and3A_139 : vector<16xi32>
    %swap3A_141 = arith.constant 1 : i32
    %swap3A_142 = arith.index_cast %swap3A_141 : i32 to index
    %swap3A_143 = arith.constant 16 : index
    %swap3A_144 = tpu.vector_load %arg5[%swap3A_142, %swap3A_143] {strides = array<i32>} : memref<4x128xi32, #tpu.memory_space<vmem>>, vector<1x16xi32>,
    %swap3A_145 = vector.shape_cast %swap3A_144 : vector<1x16xi32> to vector<16xi32>
    %swap3A_146 = vector.shape_cast %and3A_140 : vector<16xi32> to vector<1x16xi32>
    tpu.vector_store %arg5[%swap3A_142, %swap3A_143], %swap3A_146 {strides = array<i32>} : memref<4x128xi32, #tpu.memory_space<vmem>>, vector<1x16xi32>,
    %get3A_147 = arith.constant 1 : i32
    %get3A_148 = arith.index_cast %get3A_147 : i32 to index
    %get3A_149 = arith.constant 32 : index
    %get3A_150 = tpu.vector_load %arg5[%get3A_148, %get3A_149] {strides = array<i32>} : memref<4x128xi32, #tpu.memory_space<vmem>>, vector<1x16xi32>,
    %get3A_151 = vector.shape_cast %get3A_150 : vector<1x16xi32> to vector<16xi32>
    %and3A_152 = arith.constant 1023 : i32
    %and3A_153 = vector.broadcast %and3A_152 : i32 to vector<16xi32>
    %and3A_154 = arith.andi %get3A_151, %and3A_153 : vector<16xi32>
    %swap3A_155 = arith.constant 1 : i32
    %swap3A_156 = arith.index_cast %swap3A_155 : i32 to index
    %swap3A_157 = arith.constant 32 : index
    %swap3A_158 = tpu.vector_load %arg5[%swap3A_156, %swap3A_157] {strides = array<i32>} : memref<4x128xi32, #tpu.memory_space<vmem>>, vector<1x16xi32>,
    %swap3A_159 = vector.shape_cast %swap3A_158 : vector<1x16xi32> to vector<16xi32>
    %swap3A_160 = vector.shape_cast %and3A_154 : vector<16xi32> to vector<1x16xi32>
    tpu.vector_store %arg5[%swap3A_156, %swap3A_157], %swap3A_160 {strides = array<i32>} : memref<4x128xi32, #tpu.memory_space<vmem>>, vector<1x16xi32>,
    %get3A_161 = arith.constant 1 : i32
    %get3A_162 = arith.index_cast %get3A_161 : i32 to index
    %get3A_163 = arith.constant 48 : index
    %get3A_164 = tpu.vector_load %arg5[%get3A_162, %get3A_163] {strides = array<i32>} : memref<4x128xi32, #tpu.memory_space<vmem>>, vector<1x16xi32>,
    %get3A_165 = vector.shape_cast %get3A_164 : vector<1x16xi32> to vector<16xi32>
    %and3A_166 = arith.constant 1023 : i32
    %and3A_167 = vector.broadcast %and3A_166 : i32 to vector<16xi32>
    %and3A_168 = arith.andi %get3A_165, %and3A_167 : vector<16xi32>
    %swap3A_169 = arith.constant 1 : i32
    %swap3A_170 = arith.index_cast %swap3A_169 : i32 to index
    %swap3A_171 = arith.constant 48 : index
    %swap3A_172 = tpu.vector_load %arg5[%swap3A_170, %swap3A_171] {strides = array<i32>} : memref<4x128xi32, #tpu.memory_space<vmem>>, vector<1x16xi32>,
    %swap3A_173 = vector.shape_cast %swap3A_172 : vector<1x16xi32> to vector<16xi32>
    %swap3A_174 = vector.shape_cast %and3A_168 : vector<16xi32> to vector<1x16xi32>
    tpu.vector_store %arg5[%swap3A_170, %swap3A_171], %swap3A_174 {strides = array<i32>} : memref<4x128xi32, #tpu.memory_space<vmem>>, vector<1x16xi32>,
    %get3A_175 = arith.constant 1 : i32
    %get3A_176 = arith.index_cast %get3A_175 : i32 to index
    %get3A_177 = arith.constant 64 : index
    %get3A_178 = tpu.vector_load %arg5[%get3A_176, %get3A_177] {strides = array<i32>} : memref<4x128xi32, #tpu.memory_space<vmem>>, vector<1x16xi32>,
    %get3A_179 = vector.shape_cast %get3A_178 : vector<1x16xi32> to vector<16xi32>
    %and3A_180 = arith.constant 1023 : i32
    %and3A_181 = vector.broadcast %and3A_180 : i32 to vector<16xi32>
    %and3A_182 = arith.andi %get3A_179, %and3A_181 : vector<16xi32>
    %swap3A_183 = arith.constant 1 : i32
    %swap3A_184 = arith.index_cast %swap3A_183 : i32 to index
    %swap3A_185 = arith.constant 64 : index
    %swap3A_186 = tpu.vector_load %arg5[%swap3A_184, %swap3A_185] {strides = array<i32>} : memref<4x128xi32, #tpu.memory_space<vmem>>, vector<1x16xi32>,
    %swap3A_187 = vector.shape_cast %swap3A_186 : vector<1x16xi32> to vector<16xi32>
    %swap3A_188 = vector.shape_cast %and3A_182 : vector<16xi32> to vector<1x16xi32>
    tpu.vector_store %arg5[%swap3A_184, %swap3A_185], %swap3A_188 {strides = array<i32>} : memref<4x128xi32, #tpu.memory_space<vmem>>, vector<1x16xi32>,
    %get3A_189 = arith.constant 1 : i32
    %get3A_190 = arith.index_cast %get3A_189 : i32 to index
    %get3A_191 = arith.constant 80 : index
    %get3A_192 = tpu.vector_load %arg5[%get3A_190, %get3A_191] {strides = array<i32>} : memref<4x128xi32, #tpu.memory_space<vmem>>, vector<1x16xi32>,
    %get3A_193 = vector.shape_cast %get3A_192 : vector<1x16xi32> to vector<16xi32>
    %and3A_194 = arith.constant 1023 : i32
    %and3A_195 = vector.broadcast %and3A_194 : i32 to vector<16xi32>
    %and3A_196 = arith.andi %get3A_193, %and3A_195 : vector<16xi32>
    %swap3A_197 = arith.constant 1 : i32
    %swap3A_198 = arith.index_cast %swap3A_197 : i32 to index
    %swap3A_199 = arith.constant 80 : index
    %swap3A_200 = tpu.vector_load %arg5[%swap3A_198, %swap3A_199] {strides = array<i32>} : memref<4x128xi32, #tpu.memory_space<vmem>>, vector<1x16xi32>,
    %swap3A_201 = vector.shape_cast %swap3A_200 : vector<1x16xi32> to vector<16xi32>
    %swap3A_202 = vector.shape_cast %and3A_196 : vector<16xi32> to vector<1x16xi32>
    tpu.vector_store %arg5[%swap3A_198, %swap3A_199], %swap3A_202 {strides = array<i32>} : memref<4x128xi32, #tpu.memory_space<vmem>>, vector<1x16xi32>,
    %get3A_203 = arith.constant 1 : i32
    %get3A_204 = arith.index_cast %get3A_203 : i32 to index
    %get3A_205 = arith.constant 96 : index
    %get3A_206 = tpu.vector_load %arg5[%get3A_204, %get3A_205] {strides = array<i32>} : memref<4x128xi32, #tpu.memory_space<vmem>>, vector<1x16xi32>,
    %get3A_207 = vector.shape_cast %get3A_206 : vector<1x16xi32> to vector<16xi32>
    %and3A_208 = arith.constant 1023 : i32
    %and3A_209 = vector.broadcast %and3A_208 : i32 to vector<16xi32>
    %and3A_210 = arith.andi %get3A_207, %and3A_209 : vector<16xi32>
    %swap3A_211 = arith.constant 1 : i32
    %swap3A_212 = arith.index_cast %swap3A_211 : i32 to index
    %swap3A_213 = arith.constant 96 : index
    %swap3A_214 = tpu.vector_load %arg5[%swap3A_212, %swap3A_213] {strides = array<i32>} : memref<4x128xi32, #tpu.memory_space<vmem>>, vector<1x16xi32>,
    %swap3A_215 = vector.shape_cast %swap3A_214 : vector<1x16xi32> to vector<16xi32>
    %swap3A_216 = vector.shape_cast %and3A_210 : vector<16xi32> to vector<1x16xi32>
    tpu.vector_store %arg5[%swap3A_212, %swap3A_213], %swap3A_216 {strides = array<i32>} : memref<4x128xi32, #tpu.memory_space<vmem>>, vector<1x16xi32>,
    %get3A_217 = arith.constant 1 : i32
    %get3A_218 = arith.index_cast %get3A_217 : i32 to index
    %get3A_219 = arith.constant 112 : index
    %get3A_220 = tpu.vector_load %arg5[%get3A_218, %get3A_219] {strides = array<i32>} : memref<4x128xi32, #tpu.memory_space<vmem>>, vector<1x16xi32>,
    %get3A_221 = vector.shape_cast %get3A_220 : vector<1x16xi32> to vector<16xi32>
    %and3A_222 = arith.constant 1023 : i32
    %and3A_223 = vector.broadcast %and3A_222 : i32 to vector<16xi32>
    %and3A_224 = arith.andi %get3A_221, %and3A_223 : vector<16xi32>
    %swap3A_225 = arith.constant 1 : i32
    %swap3A_226 = arith.index_cast %swap3A_225 : i32 to index
    %swap3A_227 = arith.constant 112 : index
    %swap3A_228 = tpu.vector_load %arg5[%swap3A_226, %swap3A_227] {strides = array<i32>} : memref<4x128xi32, #tpu.memory_space<vmem>>, vector<1x16xi32>,
    %swap3A_229 = vector.shape_cast %swap3A_228 : vector<1x16xi32> to vector<16xi32>
    %swap3A_230 = vector.shape_cast %and3A_224 : vector<16xi32> to vector<1x16xi32>
    tpu.vector_store %arg5[%swap3A_226, %swap3A_227], %swap3A_230 {strides = array<i32>} : memref<4x128xi32, #tpu.memory_space<vmem>>, vector<1x16xi32>,
    %get3A_231 = arith.constant 2 : i32
    %get3A_232 = arith.index_cast %get3A_231 : i32 to index
    %get3A_233 = arith.constant 0 : index
    %get3A_234 = tpu.vector_load %arg5[%get3A_232, %get3A_233] {strides = array<i32>} : memref<4x128xi32, #tpu.memory_space<vmem>>, vector<1x16xi32>,
    %get3A_235 = vector.shape_cast %get3A_234 : vector<1x16xi32> to vector<16xi32>
    %and3A_236 = arith.constant 1023 : i32
    %and3A_237 = vector.broadcast %and3A_236 : i32 to vector<16xi32>
    %and3A_238 = arith.andi %get3A_235, %and3A_237 : vector<16xi32>
    %swap3A_239 = arith.constant 2 : i32
    %swap3A_240 = arith.index_cast %swap3A_239 : i32 to index
    %swap3A_241 = arith.constant 0 : index
    %swap3A_242 = tpu.vector_load %arg5[%swap3A_240, %swap3A_241] {strides = array<i32>} : memref<4x128xi32, #tpu.memory_space<vmem>>, vector<1x16xi32>,
    %swap3A_243 = vector.shape_cast %swap3A_242 : vector<1x16xi32> to vector<16xi32>
    %swap3A_244 = vector.shape_cast %and3A_238 : vector<16xi32> to vector<1x16xi32>
    tpu.vector_store %arg5[%swap3A_240, %swap3A_241], %swap3A_244 {strides = array<i32>} : memref<4x128xi32, #tpu.memory_space<vmem>>, vector<1x16xi32>,
    %get3A_245 = arith.constant 2 : i32
    %get3A_246 = arith.index_cast %get3A_245 : i32 to index
    %get3A_247 = arith.constant 16 : index
    %get3A_248 = tpu.vector_load %arg5[%get3A_246, %get3A_247] {strides = array<i32>} : memref<4x128xi32, #tpu.memory_space<vmem>>, vector<1x16xi32>,
    %get3A_249 = vector.shape_cast %get3A_248 : vector<1x16xi32> to vector<16xi32>
    %and3A_250 = arith.constant 1023 : i32
    %and3A_251 = vector.broadcast %and3A_250 : i32 to vector<16xi32>
    %and3A_252 = arith.andi %get3A_249, %and3A_251 : vector<16xi32>
    %swap3A_253 = arith.constant 2 : i32
    %swap3A_254 = arith.index_cast %swap3A_253 : i32 to index
    %swap3A_255 = arith.constant 16 : index
    %swap3A_256 = tpu.vector_load %arg5[%swap3A_254, %swap3A_255] {strides = array<i32>} : memref<4x128xi32, #tpu.memory_space<vmem>>, vector<1x16xi32>,
    %swap3A_257 = vector.shape_cast %swap3A_256 : vector<1x16xi32> to vector<16xi32>
    %swap3A_258 = vector.shape_cast %and3A_252 : vector<16xi32> to vector<1x16xi32>
    tpu.vector_store %arg5[%swap3A_254, %swap3A_255], %swap3A_258 {strides = array<i32>} : memref<4x128xi32, #tpu.memory_space<vmem>>, vector<1x16xi32>,
    %get3A_259 = arith.constant 2 : i32
    %get3A_260 = arith.index_cast %get3A_259 : i32 to index
    %get3A_261 = arith.constant 32 : index
    %get3A_262 = tpu.vector_load %arg5[%get3A_260, %get3A_261] {strides = array<i32>} : memref<4x128xi32, #tpu.memory_space<vmem>>, vector<1x16xi32>,
    %get3A_263 = vector.shape_cast %get3A_262 : vector<1x16xi32> to vector<16xi32>
    %and3A_264 = arith.constant 1023 : i32
    %and3A_265 = vector.broadcast %and3A_264 : i32 to vector<16xi32>
    %and3A_266 = arith.andi %get3A_263, %and3A_265 : vector<16xi32>
    %swap3A_267 = arith.constant 2 : i32
    %swap3A_268 = arith.index_cast %swap3A_267 : i32 to index
    %swap3A_269 = arith.constant 32 : index
    %swap3A_270 = tpu.vector_load %arg5[%swap3A_268, %swap3A_269] {strides = array<i32>} : memref<4x128xi32, #tpu.memory_space<vmem>>, vector<1x16xi32>,
    %swap3A_271 = vector.shape_cast %swap3A_270 : vector<1x16xi32> to vector<16xi32>
    %swap3A_272 = vector.shape_cast %and3A_266 : vector<16xi32> to vector<1x16xi32>
    tpu.vector_store %arg5[%swap3A_268, %swap3A_269], %swap3A_272 {strides = array<i32>} : memref<4x128xi32, #tpu.memory_space<vmem>>, vector<1x16xi32>,
    %get3A_273 = arith.constant 2 : i32
    %get3A_274 = arith.index_cast %get3A_273 : i32 to index
    %get3A_275 = arith.constant 48 : index
    %get3A_276 = tpu.vector_load %arg5[%get3A_274, %get3A_275] {strides = array<i32>} : memref<4x128xi32, #tpu.memory_space<vmem>>, vector<1x16xi32>,
    %get3A_277 = vector.shape_cast %get3A_276 : vector<1x16xi32> to vector<16xi32>
    %and3A_278 = arith.constant 1023 : i32
    %and3A_279 = vector.broadcast %and3A_278 : i32 to vector<16xi32>
    %and3A_280 = arith.andi %get3A_277, %and3A_279 : vector<16xi32>
    %swap3A_281 = arith.constant 2 : i32
    %swap3A_282 = arith.index_cast %swap3A_281 : i32 to index
    %swap3A_283 = arith.constant 48 : index
    %swap3A_284 = tpu.vector_load %arg5[%swap3A_282, %swap3A_283] {strides = array<i32>} : memref<4x128xi32, #tpu.memory_space<vmem>>, vector<1x16xi32>,
    %swap3A_285 = vector.shape_cast %swap3A_284 : vector<1x16xi32> to vector<16xi32>
    %swap3A_286 = vector.shape_cast %and3A_280 : vector<16xi32> to vector<1x16xi32>
    tpu.vector_store %arg5[%swap3A_282, %swap3A_283], %swap3A_286 {strides = array<i32>} : memref<4x128xi32, #tpu.memory_space<vmem>>, vector<1x16xi32>,
    %get3A_287 = arith.constant 2 : i32
    %get3A_288 = arith.index_cast %get3A_287 : i32 to index
    %get3A_289 = arith.constant 64 : index
    %get3A_290 = tpu.vector_load %arg5[%get3A_288, %get3A_289] {strides = array<i32>} : memref<4x128xi32, #tpu.memory_space<vmem>>, vector<1x16xi32>,
    %get3A_291 = vector.shape_cast %get3A_290 : vector<1x16xi32> to vector<16xi32>
    %and3A_292 = arith.constant 1023 : i32
    %and3A_293 = vector.broadcast %and3A_292 : i32 to vector<16xi32>
    %and3A_294 = arith.andi %get3A_291, %and3A_293 : vector<16xi32>
    %swap3A_295 = arith.constant 2 : i32
    %swap3A_296 = arith.index_cast %swap3A_295 : i32 to index
    %swap3A_297 = arith.constant 64 : index
    %swap3A_298 = tpu.vector_load %arg5[%swap3A_296, %swap3A_297] {strides = array<i32>} : memref<4x128xi32, #tpu.memory_space<vmem>>, vector<1x16xi32>,
    %swap3A_299 = vector.shape_cast %swap3A_298 : vector<1x16xi32> to vector<16xi32>
    %swap3A_300 = vector.shape_cast %and3A_294 : vector<16xi32> to vector<1x16xi32>
    tpu.vector_store %arg5[%swap3A_296, %swap3A_297], %swap3A_300 {strides = array<i32>} : memref<4x128xi32, #tpu.memory_space<vmem>>, vector<1x16xi32>,
    %get3A_301 = arith.constant 2 : i32
    %get3A_302 = arith.index_cast %get3A_301 : i32 to index
    %get3A_303 = arith.constant 80 : index
    %get3A_304 = tpu.vector_load %arg5[%get3A_302, %get3A_303] {strides = array<i32>} : memref<4x128xi32, #tpu.memory_space<vmem>>, vector<1x16xi32>,
    %get3A_305 = vector.shape_cast %get3A_304 : vector<1x16xi32> to vector<16xi32>
    %and3A_306 = arith.constant 1023 : i32
    %and3A_307 = vector.broadcast %and3A_306 : i32 to vector<16xi32>
    %and3A_308 = arith.andi %get3A_305, %and3A_307 : vector<16xi32>
    %swap3A_309 = arith.constant 2 : i32
    %swap3A_310 = arith.index_cast %swap3A_309 : i32 to index
    %swap3A_311 = arith.constant 80 : index
    %swap3A_312 = tpu.vector_load %arg5[%swap3A_310, %swap3A_311] {strides = array<i32>} : memref<4x128xi32, #tpu.memory_space<vmem>>, vector<1x16xi32>,
    %swap3A_313 = vector.shape_cast %swap3A_312 : vector<1x16xi32> to vector<16xi32>
    %swap3A_314 = vector.shape_cast %and3A_308 : vector<16xi32> to vector<1x16xi32>
    tpu.vector_store %arg5[%swap3A_310, %swap3A_311], %swap3A_314 {strides = array<i32>} : memref<4x128xi32, #tpu.memory_space<vmem>>, vector<1x16xi32>,
    %get3A_315 = arith.constant 2 : i32
    %get3A_316 = arith.index_cast %get3A_315 : i32 to index
    %get3A_317 = arith.constant 96 : index
    %get3A_318 = tpu.vector_load %arg5[%get3A_316, %get3A_317] {strides = array<i32>} : memref<4x128xi32, #tpu.memory_space<vmem>>, vector<1x16xi32>,
    %get3A_319 = vector.shape_cast %get3A_318 : vector<1x16xi32> to vector<16xi32>
    %and3A_320 = arith.constant 1023 : i32
    %and3A_321 = vector.broadcast %and3A_320 : i32 to vector<16xi32>
    %and3A_322 = arith.andi %get3A_319, %and3A_321 : vector<16xi32>
    %swap3A_323 = arith.constant 2 : i32
    %swap3A_324 = arith.index_cast %swap3A_323 : i32 to index
    %swap3A_325 = arith.constant 96 : index
    %swap3A_326 = tpu.vector_load %arg5[%swap3A_324, %swap3A_325] {strides = array<i32>} : memref<4x128xi32, #tpu.memory_space<vmem>>, vector<1x16xi32>,
    %swap3A_327 = vector.shape_cast %swap3A_326 : vector<1x16xi32> to vector<16xi32>
    %swap3A_328 = vector.shape_cast %and3A_322 : vector<16xi32> to vector<1x16xi32>
    tpu.vector_store %arg5[%swap3A_324, %swap3A_325], %swap3A_328 {strides = array<i32>} : memref<4x128xi32, #tpu.memory_space<vmem>>, vector<1x16xi32>,
    %get3A_329 = arith.constant 2 : i32
    %get3A_330 = arith.index_cast %get3A_329 : i32 to index
    %get3A_331 = arith.constant 112 : index
    %get3A_332 = tpu.vector_load %arg5[%get3A_330, %get3A_331] {strides = array<i32>} : memref<4x128xi32, #tpu.memory_space<vmem>>, vector<1x16xi32>,
    %get3A_333 = vector.shape_cast %get3A_332 : vector<1x16xi32> to vector<16xi32>
    %and3A_334 = arith.constant 1023 : i32
    %and3A_335 = vector.broadcast %and3A_334 : i32 to vector<16xi32>
    %and3A_336 = arith.andi %get3A_333, %and3A_335 : vector<16xi32>
    %swap3A_337 = arith.constant 2 : i32
    %swap3A_338 = arith.index_cast %swap3A_337 : i32 to index
    %swap3A_339 = arith.constant 112 : index
    %swap3A_340 = tpu.vector_load %arg5[%swap3A_338, %swap3A_339] {strides = array<i32>} : memref<4x128xi32, #tpu.memory_space<vmem>>, vector<1x16xi32>,
    %swap3A_341 = vector.shape_cast %swap3A_340 : vector<1x16xi32> to vector<16xi32>
    %swap3A_342 = vector.shape_cast %and3A_336 : vector<16xi32> to vector<1x16xi32>
    tpu.vector_store %arg5[%swap3A_338, %swap3A_339], %swap3A_342 {strides = array<i32>} : memref<4x128xi32, #tpu.memory_space<vmem>>, vector<1x16xi32>,
    %get3A_343 = arith.constant 3 : i32
    %get3A_344 = arith.index_cast %get3A_343 : i32 to index
    %get3A_345 = arith.constant 0 : index
    %get3A_346 = tpu.vector_load %arg5[%get3A_344, %get3A_345] {strides = array<i32>} : memref<4x128xi32, #tpu.memory_space<vmem>>, vector<1x16xi32>,
    %get3A_347 = vector.shape_cast %get3A_346 : vector<1x16xi32> to vector<16xi32>
    %and3A_348 = arith.constant 1023 : i32
    %and3A_349 = vector.broadcast %and3A_348 : i32 to vector<16xi32>
    %and3A_350 = arith.andi %get3A_347, %and3A_349 : vector<16xi32>
    %swap3A_351 = arith.constant 3 : i32
    %swap3A_352 = arith.index_cast %swap3A_351 : i32 to index
    %swap3A_353 = arith.constant 0 : index
    %swap3A_354 = tpu.vector_load %arg5[%swap3A_352, %swap3A_353] {strides = array<i32>} : memref<4x128xi32, #tpu.memory_space<vmem>>, vector<1x16xi32>,
    %swap3A_355 = vector.shape_cast %swap3A_354 : vector<1x16xi32> to vector<16xi32>
    %swap3A_356 = vector.shape_cast %and3A_350 : vector<16xi32> to vector<1x16xi32>
    tpu.vector_store %arg5[%swap3A_352, %swap3A_353], %swap3A_356 {strides = array<i32>} : memref<4x128xi32, #tpu.memory_space<vmem>>, vector<1x16xi32>,
    %get3A_357 = arith.constant 3 : i32
    %get3A_358 = arith.index_cast %get3A_357 : i32 to index
    %get3A_359 = arith.constant 16 : index
    %get3A_360 = tpu.vector_load %arg5[%get3A_358, %get3A_359] {strides = array<i32>} : memref<4x128xi32, #tpu.memory_space<vmem>>, vector<1x16xi32>,
    %get3A_361 = vector.shape_cast %get3A_360 : vector<1x16xi32> to vector<16xi32>
    %and3A_362 = arith.constant 1023 : i32
    %and3A_363 = vector.broadcast %and3A_362 : i32 to vector<16xi32>
    %and3A_364 = arith.andi %get3A_361, %and3A_363 : vector<16xi32>
    %swap3A_365 = arith.constant 3 : i32
    %swap3A_366 = arith.index_cast %swap3A_365 : i32 to index
    %swap3A_367 = arith.constant 16 : index
    %swap3A_368 = tpu.vector_load %arg5[%swap3A_366, %swap3A_367] {strides = array<i32>} : memref<4x128xi32, #tpu.memory_space<vmem>>, vector<1x16xi32>,
    %swap3A_369 = vector.shape_cast %swap3A_368 : vector<1x16xi32> to vector<16xi32>
    %swap3A_370 = vector.shape_cast %and3A_364 : vector<16xi32> to vector<1x16xi32>
    tpu.vector_store %arg5[%swap3A_366, %swap3A_367], %swap3A_370 {strides = array<i32>} : memref<4x128xi32, #tpu.memory_space<vmem>>, vector<1x16xi32>,
    %get3A_371 = arith.constant 3 : i32
    %get3A_372 = arith.index_cast %get3A_371 : i32 to index
    %get3A_373 = arith.constant 32 : index
    %get3A_374 = tpu.vector_load %arg5[%get3A_372, %get3A_373] {strides = array<i32>} : memref<4x128xi32, #tpu.memory_space<vmem>>, vector<1x16xi32>,
    %get3A_375 = vector.shape_cast %get3A_374 : vector<1x16xi32> to vector<16xi32>
    %and3A_376 = arith.constant 1023 : i32
    %and3A_377 = vector.broadcast %and3A_376 : i32 to vector<16xi32>
    %and3A_378 = arith.andi %get3A_375, %and3A_377 : vector<16xi32>
    %swap3A_379 = arith.constant 3 : i32
    %swap3A_380 = arith.index_cast %swap3A_379 : i32 to index
    %swap3A_381 = arith.constant 32 : index
    %swap3A_382 = tpu.vector_load %arg5[%swap3A_380, %swap3A_381] {strides = array<i32>} : memref<4x128xi32, #tpu.memory_space<vmem>>, vector<1x16xi32>,
    %swap3A_383 = vector.shape_cast %swap3A_382 : vector<1x16xi32> to vector<16xi32>
    %swap3A_384 = vector.shape_cast %and3A_378 : vector<16xi32> to vector<1x16xi32>
    tpu.vector_store %arg5[%swap3A_380, %swap3A_381], %swap3A_384 {strides = array<i32>} : memref<4x128xi32, #tpu.memory_space<vmem>>, vector<1x16xi32>,
    %get3A_385 = arith.constant 3 : i32
    %get3A_386 = arith.index_cast %get3A_385 : i32 to index
    %get3A_387 = arith.constant 48 : index
    %get3A_388 = tpu.vector_load %arg5[%get3A_386, %get3A_387] {strides = array<i32>} : memref<4x128xi32, #tpu.memory_space<vmem>>, vector<1x16xi32>,
    %get3A_389 = vector.shape_cast %get3A_388 : vector<1x16xi32> to vector<16xi32>
    %and3A_390 = arith.constant 1023 : i32
    %and3A_391 = vector.broadcast %and3A_390 : i32 to vector<16xi32>
    %and3A_392 = arith.andi %get3A_389, %and3A_391 : vector<16xi32>
    %swap3A_393 = arith.constant 3 : i32
    %swap3A_394 = arith.index_cast %swap3A_393 : i32 to index
    %swap3A_395 = arith.constant 48 : index
    %swap3A_396 = tpu.vector_load %arg5[%swap3A_394, %swap3A_395] {strides = array<i32>} : memref<4x128xi32, #tpu.memory_space<vmem>>, vector<1x16xi32>,
    %swap3A_397 = vector.shape_cast %swap3A_396 : vector<1x16xi32> to vector<16xi32>
    %swap3A_398 = vector.shape_cast %and3A_392 : vector<16xi32> to vector<1x16xi32>
    tpu.vector_store %arg5[%swap3A_394, %swap3A_395], %swap3A_398 {strides = array<i32>} : memref<4x128xi32, #tpu.memory_space<vmem>>, vector<1x16xi32>,
    %get3A_399 = arith.constant 3 : i32
    %get3A_400 = arith.index_cast %get3A_399 : i32 to index
    %get3A_401 = arith.constant 64 : index
    %get3A_402 = tpu.vector_load %arg5[%get3A_400, %get3A_401] {strides = array<i32>} : memref<4x128xi32, #tpu.memory_space<vmem>>, vector<1x16xi32>,
    %get3A_403 = vector.shape_cast %get3A_402 : vector<1x16xi32> to vector<16xi32>
    %and3A_404 = arith.constant 1023 : i32
    %and3A_405 = vector.broadcast %and3A_404 : i32 to vector<16xi32>
    %and3A_406 = arith.andi %get3A_403, %and3A_405 : vector<16xi32>
    %swap3A_407 = arith.constant 3 : i32
    %swap3A_408 = arith.index_cast %swap3A_407 : i32 to index
    %swap3A_409 = arith.constant 64 : index
    %swap3A_410 = tpu.vector_load %arg5[%swap3A_408, %swap3A_409] {strides = array<i32>} : memref<4x128xi32, #tpu.memory_space<vmem>>, vector<1x16xi32>,
    %swap3A_411 = vector.shape_cast %swap3A_410 : vector<1x16xi32> to vector<16xi32>
    %swap3A_412 = vector.shape_cast %and3A_406 : vector<16xi32> to vector<1x16xi32>
    tpu.vector_store %arg5[%swap3A_408, %swap3A_409], %swap3A_412 {strides = array<i32>} : memref<4x128xi32, #tpu.memory_space<vmem>>, vector<1x16xi32>,
    %get3A_413 = arith.constant 3 : i32
    %get3A_414 = arith.index_cast %get3A_413 : i32 to index
    %get3A_415 = arith.constant 80 : index
    %get3A_416 = tpu.vector_load %arg5[%get3A_414, %get3A_415] {strides = array<i32>} : memref<4x128xi32, #tpu.memory_space<vmem>>, vector<1x16xi32>,
    %get3A_417 = vector.shape_cast %get3A_416 : vector<1x16xi32> to vector<16xi32>
    %and3A_418 = arith.constant 1023 : i32
    %and3A_419 = vector.broadcast %and3A_418 : i32 to vector<16xi32>
    %and3A_420 = arith.andi %get3A_417, %and3A_419 : vector<16xi32>
    %swap3A_421 = arith.constant 3 : i32
    %swap3A_422 = arith.index_cast %swap3A_421 : i32 to index
    %swap3A_423 = arith.constant 80 : index
    %swap3A_424 = tpu.vector_load %arg5[%swap3A_422, %swap3A_423] {strides = array<i32>} : memref<4x128xi32, #tpu.memory_space<vmem>>, vector<1x16xi32>,
    %swap3A_425 = vector.shape_cast %swap3A_424 : vector<1x16xi32> to vector<16xi32>
    %swap3A_426 = vector.shape_cast %and3A_420 : vector<16xi32> to vector<1x16xi32>
    tpu.vector_store %arg5[%swap3A_422, %swap3A_423], %swap3A_426 {strides = array<i32>} : memref<4x128xi32, #tpu.memory_space<vmem>>, vector<1x16xi32>,
    %get3A_427 = arith.constant 3 : i32
    %get3A_428 = arith.index_cast %get3A_427 : i32 to index
    %get3A_429 = arith.constant 96 : index
    %get3A_430 = tpu.vector_load %arg5[%get3A_428, %get3A_429] {strides = array<i32>} : memref<4x128xi32, #tpu.memory_space<vmem>>, vector<1x16xi32>,
    %get3A_431 = vector.shape_cast %get3A_430 : vector<1x16xi32> to vector<16xi32>
    %and3A_432 = arith.constant 1023 : i32
    %and3A_433 = vector.broadcast %and3A_432 : i32 to vector<16xi32>
    %and3A_434 = arith.andi %get3A_431, %and3A_433 : vector<16xi32>
    %swap3A_435 = arith.constant 3 : i32
    %swap3A_436 = arith.index_cast %swap3A_435 : i32 to index
    %swap3A_437 = arith.constant 96 : index
    %swap3A_438 = tpu.vector_load %arg5[%swap3A_436, %swap3A_437] {strides = array<i32>} : memref<4x128xi32, #tpu.memory_space<vmem>>, vector<1x16xi32>,
    %swap3A_439 = vector.shape_cast %swap3A_438 : vector<1x16xi32> to vector<16xi32>
    %swap3A_440 = vector.shape_cast %and3A_434 : vector<16xi32> to vector<1x16xi32>
    tpu.vector_store %arg5[%swap3A_436, %swap3A_437], %swap3A_440 {strides = array<i32>} : memref<4x128xi32, #tpu.memory_space<vmem>>, vector<1x16xi32>,
    %get3A_441 = arith.constant 3 : i32
    %get3A_442 = arith.index_cast %get3A_441 : i32 to index
    %get3A_443 = arith.constant 112 : index
    %get3A_444 = tpu.vector_load %arg5[%get3A_442, %get3A_443] {strides = array<i32>} : memref<4x128xi32, #tpu.memory_space<vmem>>, vector<1x16xi32>,
    %get3A_445 = vector.shape_cast %get3A_444 : vector<1x16xi32> to vector<16xi32>
    %and3A_446 = arith.constant 1023 : i32
    %and3A_447 = vector.broadcast %and3A_446 : i32 to vector<16xi32>
    %and3A_448 = arith.andi %get3A_445, %and3A_447 : vector<16xi32>
    %swap3A_449 = arith.constant 3 : i32
    %swap3A_450 = arith.index_cast %swap3A_449 : i32 to index
    %swap3A_451 = arith.constant 112 : index
    %swap3A_452 = tpu.vector_load %arg5[%swap3A_450, %swap3A_451] {strides = array<i32>} : memref<4x128xi32, #tpu.memory_space<vmem>>, vector<1x16xi32>,
    %swap3A_453 = vector.shape_cast %swap3A_452 : vector<1x16xi32> to vector<16xi32>
    %swap3A_454 = vector.shape_cast %and3A_448 : vector<16xi32> to vector<1x16xi32>
    tpu.vector_store %arg5[%swap3A_450, %swap3A_451], %swap3A_454 {strides = array<i32>} : memref<4x128xi32, #tpu.memory_space<vmem>>, vector<1x16xi32>,
    %dma_wait3A = arith.constant 0 : i32
    %dma_wait3A_455 = tpu.memref_slice %arg7[%mul3A_6, %dma_wait3A] : memref<1024x128xf32, #tpu.memory_space<vmem_shared>> -> memref<64x128xf32, #tpu.memory_space<vmem_shared>>
    %dma_wait3A_456 = arith.constant 0 : i32
    %dma_wait3A_457 = tpu.memref_slice %arg2[%mul3A_4, %dma_wait3A_456] : memref<1024x128xf32, #tpu.memory_space<hbm>> -> memref<64x128xf32, #tpu.memory_space<hbm>>
    tpu.wait_dma2 semaphore(%arg8 : memref<!tpu.dma_semaphore, #tpu.memory_space<semaphore_mem>>) src(%dma_wait3A_457 : memref<64x128xf32, #tpu.memory_space<hbm>>) dst(%dma_wait3A_455 : memref<64x128xf32, #tpu.memory_space<vmem_shared>>)
    %barrier3A = arith.constant 0 : index
    tpu.barrier barrier_id(%barrier3A)
    %dma_start3A_458 = arith.constant 0 : i32
    %dma_start3A_459 = arith.constant 0 : i32
    %dma_start3A_460 = arith.constant 0 : i32
    %dma_start3A_461 = tpu.memref_slice %arg6[%dma_start3A_459, %dma_start3A_460] : memref<512x128xf32, #tpu.memory_space<vmem>> -> memref<128x128xf32, #tpu.memory_space<vmem>>
    %dma_start3A_462 = arith.constant 0 : i32
    %dma_start3A_463 = tpu.memref_slice %arg5[%dma_start3A_458, %dma_start3A_462] : memref<4x128xi32, #tpu.memory_space<vmem>> -> memref<1x128xi32, #tpu.memory_space<vmem>>
    %dma_start3A_464 = tpu.memref_squeeze %dma_start3A_463 : memref<1x128xi32, #tpu.memory_space<vmem>> -> memref<128xi32, #tpu.memory_space<vmem>>
    %dma_start3A_465 = arith.constant 0 : i32
    %dma_start3A_466 = arith.constant 0 : i32
    %dma_start3A_467 = tpu.memref_slice %arg7[%dma_start3A_465, %dma_start3A_466] : memref<1024x128xf32, #tpu.memory_space<vmem_shared>> -> memref<1024x128xf32, #tpu.memory_space<vmem_shared>>
    tpu.enqueue_indirect_dma source(%dma_start3A_467 : memref<1024x128xf32, #tpu.memory_space<vmem_shared>>) target(%dma_start3A_461 : memref<128x128xf32, #tpu.memory_space<vmem>>) offsets(%dma_start3A_464 : memref<128xi32, #tpu.memory_space<vmem>>) semaphore(%arg9 : memref<!tpu.dma_semaphore, #tpu.memory_space<semaphore_mem>>)
    %dma_start3A_468 = arith.constant 1 : i32
    %dma_start3A_469 = arith.constant 128 : i32
    %dma_start3A_470 = arith.constant 0 : i32
    %dma_start3A_471 = tpu.memref_slice %arg6[%dma_start3A_469, %dma_start3A_470] : memref<512x128xf32, #tpu.memory_space<vmem>> -> memref<128x128xf32, #tpu.memory_space<vmem>>
    %dma_start3A_472 = arith.constant 0 : i32
    %dma_start3A_473 = tpu.memref_slice %arg5[%dma_start3A_468, %dma_start3A_472] : memref<4x128xi32, #tpu.memory_space<vmem>> -> memref<1x128xi32, #tpu.memory_space<vmem>>
    %dma_start3A_474 = tpu.memref_squeeze %dma_start3A_473 : memref<1x128xi32, #tpu.memory_space<vmem>> -> memref<128xi32, #tpu.memory_space<vmem>>
    %dma_start3A_475 = arith.constant 0 : i32
    %dma_start3A_476 = arith.constant 0 : i32
    %dma_start3A_477 = tpu.memref_slice %arg7[%dma_start3A_475, %dma_start3A_476] : memref<1024x128xf32, #tpu.memory_space<vmem_shared>> -> memref<1024x128xf32, #tpu.memory_space<vmem_shared>>
    tpu.enqueue_indirect_dma source(%dma_start3A_477 : memref<1024x128xf32, #tpu.memory_space<vmem_shared>>) target(%dma_start3A_471 : memref<128x128xf32, #tpu.memory_space<vmem>>) offsets(%dma_start3A_474 : memref<128xi32, #tpu.memory_space<vmem>>) semaphore(%arg9 : memref<!tpu.dma_semaphore, #tpu.memory_space<semaphore_mem>>)
    %dma_start3A_478 = arith.constant 2 : i32
    %dma_start3A_479 = arith.constant 256 : i32
    %dma_start3A_480 = arith.constant 0 : i32
    %dma_start3A_481 = tpu.memref_slice %arg6[%dma_start3A_479, %dma_start3A_480] : memref<512x128xf32, #tpu.memory_space<vmem>> -> memref<128x128xf32, #tpu.memory_space<vmem>>
    %dma_start3A_482 = arith.constant 0 : i32
    %dma_start3A_483 = tpu.memref_slice %arg5[%dma_start3A_478, %dma_start3A_482] : memref<4x128xi32, #tpu.memory_space<vmem>> -> memref<1x128xi32, #tpu.memory_space<vmem>>
    %dma_start3A_484 = tpu.memref_squeeze %dma_start3A_483 : memref<1x128xi32, #tpu.memory_space<vmem>> -> memref<128xi32, #tpu.memory_space<vmem>>
    %dma_start3A_485 = arith.constant 0 : i32
    %dma_start3A_486 = arith.constant 0 : i32
    %dma_start3A_487 = tpu.memref_slice %arg7[%dma_start3A_485, %dma_start3A_486] : memref<1024x128xf32, #tpu.memory_space<vmem_shared>> -> memref<1024x128xf32, #tpu.memory_space<vmem_shared>>
    tpu.enqueue_indirect_dma source(%dma_start3A_487 : memref<1024x128xf32, #tpu.memory_space<vmem_shared>>) target(%dma_start3A_481 : memref<128x128xf32, #tpu.memory_space<vmem>>) offsets(%dma_start3A_484 : memref<128xi32, #tpu.memory_space<vmem>>) semaphore(%arg9 : memref<!tpu.dma_semaphore, #tpu.memory_space<semaphore_mem>>)
    %dma_start3A_488 = arith.constant 3 : i32
    %dma_start3A_489 = arith.constant 384 : i32
    %dma_start3A_490 = arith.constant 0 : i32
    %dma_start3A_491 = tpu.memref_slice %arg6[%dma_start3A_489, %dma_start3A_490] : memref<512x128xf32, #tpu.memory_space<vmem>> -> memref<128x128xf32, #tpu.memory_space<vmem>>
    %dma_start3A_492 = arith.constant 0 : i32
    %dma_start3A_493 = tpu.memref_slice %arg5[%dma_start3A_488, %dma_start3A_492] : memref<4x128xi32, #tpu.memory_space<vmem>> -> memref<1x128xi32, #tpu.memory_space<vmem>>
    %dma_start3A_494 = tpu.memref_squeeze %dma_start3A_493 : memref<1x128xi32, #tpu.memory_space<vmem>> -> memref<128xi32, #tpu.memory_space<vmem>>
    %dma_start3A_495 = arith.constant 0 : i32
    %dma_start3A_496 = arith.constant 0 : i32
    %dma_start3A_497 = tpu.memref_slice %arg7[%dma_start3A_495, %dma_start3A_496] : memref<1024x128xf32, #tpu.memory_space<vmem_shared>> -> memref<1024x128xf32, #tpu.memory_space<vmem_shared>>
    tpu.enqueue_indirect_dma source(%dma_start3A_497 : memref<1024x128xf32, #tpu.memory_space<vmem_shared>>) target(%dma_start3A_491 : memref<128x128xf32, #tpu.memory_space<vmem>>) offsets(%dma_start3A_494 : memref<128xi32, #tpu.memory_space<vmem>>) semaphore(%arg9 : memref<!tpu.dma_semaphore, #tpu.memory_space<semaphore_mem>>)
    %dma_wait3A_498 = arith.constant 0 : i32
    %dma_wait3A_499 = arith.constant 0 : i32
    %dma_wait3A_500 = arith.constant 0 : i32
    %dma_wait3A_501 = tpu.memref_slice %arg6[%dma_wait3A_499, %dma_wait3A_500] : memref<512x128xf32, #tpu.memory_space<vmem>> -> memref<128x128xf32, #tpu.memory_space<vmem>>
    %dma_wait3A_502 = arith.constant 0 : i32
    %dma_wait3A_503 = tpu.memref_slice %arg5[%dma_wait3A_498, %dma_wait3A_502] : memref<4x128xi32, #tpu.memory_space<vmem>> -> memref<1x128xi32, #tpu.memory_space<vmem>>
    %dma_wait3A_504 = tpu.memref_squeeze %dma_wait3A_503 : memref<1x128xi32, #tpu.memory_space<vmem>> -> memref<128xi32, #tpu.memory_space<vmem>>
    %dma_wait3A_505 = arith.constant 0 : i32
    %dma_wait3A_506 = arith.constant 0 : i32
    %dma_wait3A_507 = tpu.memref_slice %arg7[%dma_wait3A_505, %dma_wait3A_506] : memref<1024x128xf32, #tpu.memory_space<vmem_shared>> -> memref<1024x128xf32, #tpu.memory_space<vmem_shared>>
    tpu.wait_indirect_dma semaphore(%arg9 : memref<!tpu.dma_semaphore, #tpu.memory_space<semaphore_mem>>) src(%dma_wait3A_507 : memref<1024x128xf32, #tpu.memory_space<vmem_shared>>) dst(%dma_wait3A_501 : memref<128x128xf32, #tpu.memory_space<vmem>>)
    %add3A_508 = arith.constant 0 : i32
    %add3A_509 = arith.addi %mul3A_2, %add3A_508 : i32
    %dma_start3A_510 = arith.constant 0 : i32
    %dma_start3A_511 = arith.constant 0 : i32
    %dma_start3A_512 = tpu.memref_slice %arg6[%dma_start3A_510, %dma_start3A_511] : memref<512x128xf32, #tpu.memory_space<vmem>> -> memref<128x128xf32, #tpu.memory_space<vmem>>
    %dma_start3A_513 = arith.constant 0 : i32
    %dma_start3A_514 = tpu.memref_slice %arg4[%add3A_509, %dma_start3A_513] : memref<16384x128xf32, #tpu.memory_space<hbm>> -> memref<128x128xf32, #tpu.memory_space<hbm>>
    %dma_start3A_515 = arith.constant 0 : i32
    %dma_start3A_516 = tpu.memref_slice %arg4[%add3A_509, %dma_start3A_515] : memref<16384x128xf32, #tpu.memory_space<hbm>> -> memref<128x128xf32, #tpu.memory_space<hbm>>
    %dma_start3A_517 = arith.constant 0 : i32
    %dma_start3A_518 = arith.constant 0 : i32
    %dma_start3A_519 = tpu.memref_slice %arg6[%dma_start3A_517, %dma_start3A_518] : memref<512x128xf32, #tpu.memory_space<vmem>> -> memref<128x128xf32, #tpu.memory_space<vmem>>
    tpu.enqueue_dma source(%dma_start3A_519 : memref<128x128xf32, #tpu.memory_space<vmem>>) target(%dma_start3A_516 : memref<128x128xf32, #tpu.memory_space<hbm>>) target_semaphore(%arg10 : memref<!tpu.dma_semaphore, #tpu.memory_space<semaphore_mem>>)
    %dma_wait3A_520 = arith.constant 1 : i32
    %dma_wait3A_521 = arith.constant 128 : i32
    %dma_wait3A_522 = arith.constant 0 : i32
    %dma_wait3A_523 = tpu.memref_slice %arg6[%dma_wait3A_521, %dma_wait3A_522] : memref<512x128xf32, #tpu.memory_space<vmem>> -> memref<128x128xf32, #tpu.memory_space<vmem>>
    %dma_wait3A_524 = arith.constant 0 : i32
    %dma_wait3A_525 = tpu.memref_slice %arg5[%dma_wait3A_520, %dma_wait3A_524] : memref<4x128xi32, #tpu.memory_space<vmem>> -> memref<1x128xi32, #tpu.memory_space<vmem>>
    %dma_wait3A_526 = tpu.memref_squeeze %dma_wait3A_525 : memref<1x128xi32, #tpu.memory_space<vmem>> -> memref<128xi32, #tpu.memory_space<vmem>>
    %dma_wait3A_527 = arith.constant 0 : i32
    %dma_wait3A_528 = arith.constant 0 : i32
    %dma_wait3A_529 = tpu.memref_slice %arg7[%dma_wait3A_527, %dma_wait3A_528] : memref<1024x128xf32, #tpu.memory_space<vmem_shared>> -> memref<1024x128xf32, #tpu.memory_space<vmem_shared>>
    tpu.wait_indirect_dma semaphore(%arg9 : memref<!tpu.dma_semaphore, #tpu.memory_space<semaphore_mem>>) src(%dma_wait3A_529 : memref<1024x128xf32, #tpu.memory_space<vmem_shared>>) dst(%dma_wait3A_523 : memref<128x128xf32, #tpu.memory_space<vmem>>)
    %add3A_530 = arith.constant 128 : i32
    %add3A_531 = arith.addi %mul3A_2, %add3A_530 : i32
    %dma_start3A_532 = arith.constant 128 : i32
    %dma_start3A_533 = arith.constant 0 : i32
    %dma_start3A_534 = tpu.memref_slice %arg6[%dma_start3A_532, %dma_start3A_533] : memref<512x128xf32, #tpu.memory_space<vmem>> -> memref<128x128xf32, #tpu.memory_space<vmem>>
    %dma_start3A_535 = arith.constant 0 : i32
    %dma_start3A_536 = tpu.memref_slice %arg4[%add3A_531, %dma_start3A_535] : memref<16384x128xf32, #tpu.memory_space<hbm>> -> memref<128x128xf32, #tpu.memory_space<hbm>>
    %dma_start3A_537 = arith.constant 0 : i32
    %dma_start3A_538 = tpu.memref_slice %arg4[%add3A_531, %dma_start3A_537] : memref<16384x128xf32, #tpu.memory_space<hbm>> -> memref<128x128xf32, #tpu.memory_space<hbm>>
    %dma_start3A_539 = arith.constant 128 : i32
    %dma_start3A_540 = arith.constant 0 : i32
    %dma_start3A_541 = tpu.memref_slice %arg6[%dma_start3A_539, %dma_start3A_540] : memref<512x128xf32, #tpu.memory_space<vmem>> -> memref<128x128xf32, #tpu.memory_space<vmem>>
    tpu.enqueue_dma source(%dma_start3A_541 : memref<128x128xf32, #tpu.memory_space<vmem>>) target(%dma_start3A_538 : memref<128x128xf32, #tpu.memory_space<hbm>>) target_semaphore(%arg10 : memref<!tpu.dma_semaphore, #tpu.memory_space<semaphore_mem>>)
    %dma_wait3A_542 = arith.constant 2 : i32
    %dma_wait3A_543 = arith.constant 256 : i32
    %dma_wait3A_544 = arith.constant 0 : i32
    %dma_wait3A_545 = tpu.memref_slice %arg6[%dma_wait3A_543, %dma_wait3A_544] : memref<512x128xf32, #tpu.memory_space<vmem>> -> memref<128x128xf32, #tpu.memory_space<vmem>>
    %dma_wait3A_546 = arith.constant 0 : i32
    %dma_wait3A_547 = tpu.memref_slice %arg5[%dma_wait3A_542, %dma_wait3A_546] : memref<4x128xi32, #tpu.memory_space<vmem>> -> memref<1x128xi32, #tpu.memory_space<vmem>>
    %dma_wait3A_548 = tpu.memref_squeeze %dma_wait3A_547 : memref<1x128xi32, #tpu.memory_space<vmem>> -> memref<128xi32, #tpu.memory_space<vmem>>
    %dma_wait3A_549 = arith.constant 0 : i32
    %dma_wait3A_550 = arith.constant 0 : i32
    %dma_wait3A_551 = tpu.memref_slice %arg7[%dma_wait3A_549, %dma_wait3A_550] : memref<1024x128xf32, #tpu.memory_space<vmem_shared>> -> memref<1024x128xf32, #tpu.memory_space<vmem_shared>>
    tpu.wait_indirect_dma semaphore(%arg9 : memref<!tpu.dma_semaphore, #tpu.memory_space<semaphore_mem>>) src(%dma_wait3A_551 : memref<1024x128xf32, #tpu.memory_space<vmem_shared>>) dst(%dma_wait3A_545 : memref<128x128xf32, #tpu.memory_space<vmem>>)
    %add3A_552 = arith.constant 256 : i32
    %add3A_553 = arith.addi %mul3A_2, %add3A_552 : i32
    %dma_start3A_554 = arith.constant 256 : i32
    %dma_start3A_555 = arith.constant 0 : i32
    %dma_start3A_556 = tpu.memref_slice %arg6[%dma_start3A_554, %dma_start3A_555] : memref<512x128xf32, #tpu.memory_space<vmem>> -> memref<128x128xf32, #tpu.memory_space<vmem>>
    %dma_start3A_557 = arith.constant 0 : i32
    %dma_start3A_558 = tpu.memref_slice %arg4[%add3A_553, %dma_start3A_557] : memref<16384x128xf32, #tpu.memory_space<hbm>> -> memref<128x128xf32, #tpu.memory_space<hbm>>
    %dma_start3A_559 = arith.constant 0 : i32
    %dma_start3A_560 = tpu.memref_slice %arg4[%add3A_553, %dma_start3A_559] : memref<16384x128xf32, #tpu.memory_space<hbm>> -> memref<128x128xf32, #tpu.memory_space<hbm>>
    %dma_start3A_561 = arith.constant 256 : i32
    %dma_start3A_562 = arith.constant 0 : i32
    %dma_start3A_563 = tpu.memref_slice %arg6[%dma_start3A_561, %dma_start3A_562] : memref<512x128xf32, #tpu.memory_space<vmem>> -> memref<128x128xf32, #tpu.memory_space<vmem>>
    tpu.enqueue_dma source(%dma_start3A_563 : memref<128x128xf32, #tpu.memory_space<vmem>>) target(%dma_start3A_560 : memref<128x128xf32, #tpu.memory_space<hbm>>) target_semaphore(%arg10 : memref<!tpu.dma_semaphore, #tpu.memory_space<semaphore_mem>>)
    %dma_wait3A_564 = arith.constant 3 : i32
    %dma_wait3A_565 = arith.constant 384 : i32
    %dma_wait3A_566 = arith.constant 0 : i32
    %dma_wait3A_567 = tpu.memref_slice %arg6[%dma_wait3A_565, %dma_wait3A_566] : memref<512x128xf32, #tpu.memory_space<vmem>> -> memref<128x128xf32, #tpu.memory_space<vmem>>
    %dma_wait3A_568 = arith.constant 0 : i32
    %dma_wait3A_569 = tpu.memref_slice %arg5[%dma_wait3A_564, %dma_wait3A_568] : memref<4x128xi32, #tpu.memory_space<vmem>> -> memref<1x128xi32, #tpu.memory_space<vmem>>
    %dma_wait3A_570 = tpu.memref_squeeze %dma_wait3A_569 : memref<1x128xi32, #tpu.memory_space<vmem>> -> memref<128xi32, #tpu.memory_space<vmem>>
    %dma_wait3A_571 = arith.constant 0 : i32
    %dma_wait3A_572 = arith.constant 0 : i32
    %dma_wait3A_573 = tpu.memref_slice %arg7[%dma_wait3A_571, %dma_wait3A_572] : memref<1024x128xf32, #tpu.memory_space<vmem_shared>> -> memref<1024x128xf32, #tpu.memory_space<vmem_shared>>
    tpu.wait_indirect_dma semaphore(%arg9 : memref<!tpu.dma_semaphore, #tpu.memory_space<semaphore_mem>>) src(%dma_wait3A_573 : memref<1024x128xf32, #tpu.memory_space<vmem_shared>>) dst(%dma_wait3A_567 : memref<128x128xf32, #tpu.memory_space<vmem>>)
    %add3A_574 = arith.constant 384 : i32
    %add3A_575 = arith.addi %mul3A_2, %add3A_574 : i32
    %dma_start3A_576 = arith.constant 384 : i32
    %dma_start3A_577 = arith.constant 0 : i32
    %dma_start3A_578 = tpu.memref_slice %arg6[%dma_start3A_576, %dma_start3A_577] : memref<512x128xf32, #tpu.memory_space<vmem>> -> memref<128x128xf32, #tpu.memory_space<vmem>>
    %dma_start3A_579 = arith.constant 0 : i32
    %dma_start3A_580 = tpu.memref_slice %arg4[%add3A_575, %dma_start3A_579] : memref<16384x128xf32, #tpu.memory_space<hbm>> -> memref<128x128xf32, #tpu.memory_space<hbm>>
    %dma_start3A_581 = arith.constant 0 : i32
    %dma_start3A_582 = tpu.memref_slice %arg4[%add3A_575, %dma_start3A_581] : memref<16384x128xf32, #tpu.memory_space<hbm>> -> memref<128x128xf32, #tpu.memory_space<hbm>>
    %dma_start3A_583 = arith.constant 384 : i32
    %dma_start3A_584 = arith.constant 0 : i32
    %dma_start3A_585 = tpu.memref_slice %arg6[%dma_start3A_583, %dma_start3A_584] : memref<512x128xf32, #tpu.memory_space<vmem>> -> memref<128x128xf32, #tpu.memory_space<vmem>>
    tpu.enqueue_dma source(%dma_start3A_585 : memref<128x128xf32, #tpu.memory_space<vmem>>) target(%dma_start3A_582 : memref<128x128xf32, #tpu.memory_space<hbm>>) target_semaphore(%arg10 : memref<!tpu.dma_semaphore, #tpu.memory_space<semaphore_mem>>)
    %dma_wait3A_586 = arith.constant 0 : i32
    %dma_wait3A_587 = arith.constant 0 : i32
    %dma_wait3A_588 = tpu.memref_slice %arg6[%dma_wait3A_586, %dma_wait3A_587] : memref<512x128xf32, #tpu.memory_space<vmem>> -> memref<128x128xf32, #tpu.memory_space<vmem>>
    %dma_wait3A_589 = arith.constant 0 : i32
    %dma_wait3A_590 = tpu.memref_slice %arg4[%add3A_509, %dma_wait3A_589] : memref<16384x128xf32, #tpu.memory_space<hbm>> -> memref<128x128xf32, #tpu.memory_space<hbm>>
    %dma_wait3A_591 = arith.constant 0 : i32
    %dma_wait3A_592 = tpu.memref_slice %arg4[%add3A_509, %dma_wait3A_591] : memref<16384x128xf32, #tpu.memory_space<hbm>> -> memref<128x128xf32, #tpu.memory_space<hbm>>
    %dma_wait3A_593 = arith.constant 0 : i32
    %dma_wait3A_594 = arith.constant 0 : i32
    %dma_wait3A_595 = tpu.memref_slice %arg6[%dma_wait3A_593, %dma_wait3A_594] : memref<512x128xf32, #tpu.memory_space<vmem>> -> memref<128x128xf32, #tpu.memory_space<vmem>>
    tpu.wait_dma2 semaphore(%arg10 : memref<!tpu.dma_semaphore, #tpu.memory_space<semaphore_mem>>) src(%dma_wait3A_595 : memref<128x128xf32, #tpu.memory_space<vmem>>) dst(%dma_wait3A_592 : memref<128x128xf32, #tpu.memory_space<hbm>>)
    %dma_wait3A_596 = arith.constant 128 : i32
    %dma_wait3A_597 = arith.constant 0 : i32
    %dma_wait3A_598 = tpu.memref_slice %arg6[%dma_wait3A_596, %dma_wait3A_597] : memref<512x128xf32, #tpu.memory_space<vmem>> -> memref<128x128xf32, #tpu.memory_space<vmem>>
    %dma_wait3A_599 = arith.constant 0 : i32
    %dma_wait3A_600 = tpu.memref_slice %arg4[%add3A_531, %dma_wait3A_599] : memref<16384x128xf32, #tpu.memory_space<hbm>> -> memref<128x128xf32, #tpu.memory_space<hbm>>
    %dma_wait3A_601 = arith.constant 0 : i32
    %dma_wait3A_602 = tpu.memref_slice %arg4[%add3A_531, %dma_wait3A_601] : memref<16384x128xf32, #tpu.memory_space<hbm>> -> memref<128x128xf32, #tpu.memory_space<hbm>>
    %dma_wait3A_603 = arith.constant 128 : i32
    %dma_wait3A_604 = arith.constant 0 : i32
    %dma_wait3A_605 = tpu.memref_slice %arg6[%dma_wait3A_603, %dma_wait3A_604] : memref<512x128xf32, #tpu.memory_space<vmem>> -> memref<128x128xf32, #tpu.memory_space<vmem>>
    tpu.wait_dma2 semaphore(%arg10 : memref<!tpu.dma_semaphore, #tpu.memory_space<semaphore_mem>>) src(%dma_wait3A_605 : memref<128x128xf32, #tpu.memory_space<vmem>>) dst(%dma_wait3A_602 : memref<128x128xf32, #tpu.memory_space<hbm>>)
    %dma_wait3A_606 = arith.constant 256 : i32
    %dma_wait3A_607 = arith.constant 0 : i32
    %dma_wait3A_608 = tpu.memref_slice %arg6[%dma_wait3A_606, %dma_wait3A_607] : memref<512x128xf32, #tpu.memory_space<vmem>> -> memref<128x128xf32, #tpu.memory_space<vmem>>
    %dma_wait3A_609 = arith.constant 0 : i32
    %dma_wait3A_610 = tpu.memref_slice %arg4[%add3A_553, %dma_wait3A_609] : memref<16384x128xf32, #tpu.memory_space<hbm>> -> memref<128x128xf32, #tpu.memory_space<hbm>>
    %dma_wait3A_611 = arith.constant 0 : i32
    %dma_wait3A_612 = tpu.memref_slice %arg4[%add3A_553, %dma_wait3A_611] : memref<16384x128xf32, #tpu.memory_space<hbm>> -> memref<128x128xf32, #tpu.memory_space<hbm>>
    %dma_wait3A_613 = arith.constant 256 : i32
    %dma_wait3A_614 = arith.constant 0 : i32
    %dma_wait3A_615 = tpu.memref_slice %arg6[%dma_wait3A_613, %dma_wait3A_614] : memref<512x128xf32, #tpu.memory_space<vmem>> -> memref<128x128xf32, #tpu.memory_space<vmem>>
    tpu.wait_dma2 semaphore(%arg10 : memref<!tpu.dma_semaphore, #tpu.memory_space<semaphore_mem>>) src(%dma_wait3A_615 : memref<128x128xf32, #tpu.memory_space<vmem>>) dst(%dma_wait3A_612 : memref<128x128xf32, #tpu.memory_space<hbm>>)
    %dma_wait3A_616 = arith.constant 384 : i32
    %dma_wait3A_617 = arith.constant 0 : i32
    %dma_wait3A_618 = tpu.memref_slice %arg6[%dma_wait3A_616, %dma_wait3A_617] : memref<512x128xf32, #tpu.memory_space<vmem>> -> memref<128x128xf32, #tpu.memory_space<vmem>>
    %dma_wait3A_619 = arith.constant 0 : i32
    %dma_wait3A_620 = tpu.memref_slice %arg4[%add3A_575, %dma_wait3A_619] : memref<16384x128xf32, #tpu.memory_space<hbm>> -> memref<128x128xf32, #tpu.memory_space<hbm>>
    %dma_wait3A_621 = arith.constant 0 : i32
    %dma_wait3A_622 = tpu.memref_slice %arg4[%add3A_575, %dma_wait3A_621] : memref<16384x128xf32, #tpu.memory_space<hbm>> -> memref<128x128xf32, #tpu.memory_space<hbm>>
    %dma_wait3A_623 = arith.constant 384 : i32
    %dma_wait3A_624 = arith.constant 0 : i32
    %dma_wait3A_625 = tpu.memref_slice %arg6[%dma_wait3A_623, %dma_wait3A_624] : memref<512x128xf32, #tpu.memory_space<vmem>> -> memref<128x128xf32, #tpu.memory_space<vmem>>
    tpu.wait_dma2 semaphore(%arg10 : memref<!tpu.dma_semaphore, #tpu.memory_space<semaphore_mem>>) src(%dma_wait3A_625 : memref<128x128xf32, #tpu.memory_space<vmem>>) dst(%dma_wait3A_622 : memref<128x128xf32, #tpu.memory_space<hbm>>)
    return
  }
}

</mosaic_0001>

<sc_bundles>
// kernel: kernel.3.cloned.1.call-start
scs
__scs_entry_jumppad:
0x0: {  	(pc) =	sbr.rel $0x88, $3  }
0x1: {  	(tag) =	ssettag $0x0;
	lr =	simm.s32 $0x1  }
0x2: {  	[smem:$0x3F9E] =	sst lr;
	_ =	strace $0xD0000000  }
0x3: {  	_ = 	snop  }
0x4: {  	_ = 	snop  }
0x5: {  	_ = 	snop  }
0x6: {  	_ = 	snop  }
0x7: {  	_ = 	snop  }
__scs_overlays_trampoline_lowered:
0x8: {  	[smem:$0x3FAD] =	sst s0  }
0x9: {  	[smem:$0x3FAE] =	sst s1  }
0xa: {  	[smem:$0x3FAF] =	sst s2  }
0xb: {  	[smem:$0x3FB0] =	sst s3  }
0xc: {  	[smem:$0x3FB1] =	sst s4  }
0xd: {  	[smem:$0x3FB2] =	sst s5  }
0xe: {  	[smem:$0x3FB3] =	sst s6  }
0xf: {  	[smem:$0x3FB4] =	sst s7  }
0x10: {  	[smem:$0x3FB5] =	sst s8  }
0x11: {  	[smem:$0x3FB6] =	sst s9;
	s0 =	simm.s32 @!p0 $0x0  }
0x12: {  	s1 =	sld [smem:$0x3F9C];
	s0 =	simm.s32 @p0 $0x1  }
0x13: {  	[smem:$0x3FB7] =	sst s0;
	s0 =	simm.s32 @!p1 $0x0  }
0x14: {  	s2 =	sld [smem:$0x3F9B];
	s0 =	simm.s32 @p1 $0x1  }
0x15: {  	[smem:$0x3FB8] =	sst s0;
	s0 =	simm.s32 @!p2 $0x0  }
0x16: {  	s3 =	sld [smem:$0x3FDB];
	s0 =	simm.s32 @p2 $0x1  }
0x17: {  	s4 =	simm.s32 $0x1BF5;
	[smem:$0x3FBA] =	sst s0  }
0x18: {  	s0 =	sld [smem:$0x3F9D];
	_ =	swait.ge [sflag:s4], $0x0  }
0x19: {  	s7 =	sld [smem:$0x3F9E]  }
0x1a: {  	s8 =	sadd.s32 $0xFFFFE003, lr  }
0x1b: {  	s9 =	sadd.s32 $0xFFFFFEF7, lr;
	s5 =	simm.s32 $0xFFFFFFFF;
	p2 =	slt.u32 s8, $0xFFFFF086  }
0x1c: {  	p1 =	slt.u32 s9, $0xF7A;
	s5 =	simm.s32 @!p2 $0x0  }
0x1d: {  	s5 =	simm.s32 @p1 $0x1;
	p0 =	seq.s32 s7, s2  }
0x1e: {  	s7 =	smul.u32 @!p0 $0xF7A, s2;
	p2 =	seq.s32 @!p0 s5, $0x0  }
0x1f: {  	s9 =	smul.u32 $0xF7A, s1;
	s8 =	simm.s32 @!p0 $0x1BF5;
	p2 =	por !p2, p0  }
0x20: {  	[sflag:s8] =	ssyncset.s32 @!p0 $0xFFFFF086;
	s6 =	sadd.s32 @!p0 s3, s7;
	s7 =	simm.s32 @!p0 $0x108  }
0x21: {  	s3 =	sadd.s32 s3, s9;
	s6 =	sadd.s32 @!p0 $0x88, s6;
	s7 =	simm.s32 @p2 $0x1082  }
0x22: {  	[simem:s7], [sflag:s8] =	dma.local @!p0 [hbm:s6], $0xF7A  }
0x23: {  	s9 =	sor.u32 $0xD0000000, s2;
	s6 =	simm.s32 $0x108;
	_ =	swait.ge @!p0 [sflag:s8], $0x0  }
0x24: {  	s3 =	sadd.s32 $0x88, s3;
	s6 =	simm.s32 @!p1 $0x1082;
	[sflag:s4] =	ssyncset.s32 $0xFFFFF086  }
0x25: {  	[simem:s6], [sflag:s4] =	dma.local [hbm:s3], $0xF7A  }
0x26: {  	[smem:$0x3F9E] =	sst s1;
	(tag) =	ssettag s2;
	_ =	strace s9  }
0x27: {  	s1 =	sld [smem:$0x3FAE]  }
0x28: {  	s2 =	sld [smem:$0x3FAF]  }
0x29: {  	s4 =	sld [smem:$0x3FB1]  }
0x2a: {  	p0 =	seq.s32 s5, $0x0;
	s5 =	sld [smem:$0x3FB2]  }
0x2b: {  	s6 =	sld [smem:$0x3FB3]  }
0x2c: {  	s7 =	sld [smem:$0x3FB4]  }
0x2d: {  	s3 =	simm.s32 $0x108;
	s8 =	sld [smem:$0x3FB5]  }
0x2e: {  	s3 =	simm.s32 @!p0 $0x1082;
	s9 =	sld [smem:$0x3FB6]  }
0x2f: {  	lr =	sadd.s32 s0, s3;
	s0 =	sld [smem:$0x3FAD]  }
0x30: {  	s3 =	sld [smem:$0x3FB0]  }
0x31: {  	[smem:$0x3FB9] =	sst s10  }
0x32: {  	s10 =	sld [smem:$0x3FB7];
	_ =	sdelay $0x3  }
0x33: {  	p0 =	seq.s32 s10, $0x1;
	s10 =	sld [smem:$0x3FB9];
	_ =	sdelay $0x3  }
0x34: {  	[smem:$0x3FB9] =	sst s10  }
0x35: {  	s10 =	sld [smem:$0x3FB8];
	_ =	sdelay $0x3  }
0x36: {  	p1 =	seq.s32 s10, $0x1;
	s10 =	sld [smem:$0x3FB9];
	_ =	sdelay $0x3  }
0x37: {  	[smem:$0x3FB9] =	sst s10  }
0x38: {  	s10 =	sld [smem:$0x3FBA]  }
0x39: {  	_ = 	snop;
	(pc) =	sbr.ind lr, $3  }
0x3a: {  	_ = 	snop  }
0x3b: {  	_ = 	snop  }
0x3c: {  	p2 =	seq.s32 s10, $0x1;
	s10 =	sld [smem:$0x3FB9]  }
0x3d: {  	_ =	shalt  }
0x3e: {  	_ =	shalt  }
0x3f: {  	_ =	shalt  }
0x40: {  	_ =	shalt  }
0x41: {  	_ =	shalt  }
0x42: {  	_ =	shalt  }
0x43: {  	_ =	shalt  }
0x44: {  	_ =	shalt  }
0x45: {  	_ =	shalt  }
0x46: {  	_ =	shalt  }
0x47: {  	_ =	shalt  }
0x48: {  	_ =	shalt  }
0x49: {  	_ =	shalt  }
0x4a: {  	_ =	shalt  }
0x4b: {  	_ =	shalt  }
0x4c: {  	_ =	shalt  }
0x4d: {  	_ =	shalt  }
0x4e: {  	_ =	shalt  }
0x4f: {  	_ =	shalt  }
0x50: {  	_ =	shalt  }
0x51: {  	_ =	shalt  }
0x52: {  	_ =	shalt  }
0x53: {  	_ =	shalt  }
0x54: {  	_ =	shalt  }
0x55: {  	_ =	shalt  }
0x56: {  	_ =	shalt  }
0x57: {  	_ =	shalt  }
0x58: {  	_ =	shalt  }
0x59: {  	_ =	shalt  }
0x5a: {  	_ =	shalt  }
0x5b: {  	_ =	shalt  }
0x5c: {  	_ =	shalt  }
0x5d: {  	_ =	shalt  }
0x5e: {  	_ =	shalt  }
0x5f: {  	_ =	shalt  }
0x60: {  	_ =	shalt  }
0x61: {  	_ =	shalt  }
0x62: {  	_ =	shalt  }
0x63: {  	_ =	shalt  }
0x64: {  	_ =	shalt  }
0x65: {  	_ =	shalt  }
0x66: {  	_ =	shalt  }
0x67: {  	_ =	shalt  }
0x68: {  	_ =	shalt  }
0x69: {  	_ =	shalt  }
0x6a: {  	_ =	shalt  }
0x6b: {  	_ =	shalt  }
0x6c: {  	_ =	shalt  }
0x6d: {  	_ =	shalt  }
0x6e: {  	_ =	shalt  }
0x6f: {  	_ =	shalt  }
0x70: {  	_ =	shalt  }
0x71: {  	_ =	shalt  }
0x72: {  	_ =	shalt  }
0x73: {  	_ =	shalt  }
0x74: {  	_ =	shalt  }
0x75: {  	_ =	shalt  }
0x76: {  	_ =	shalt  }
0x77: {  	_ =	shalt  }
0x78: {  	_ =	shalt  }
0x79: {  	_ =	shalt  }
0x7a: {  	_ =	shalt  }
0x7b: {  	_ =	shalt  }
0x7c: {  	_ =	shalt  }
0x7d: {  	_ =	shalt  }
0x7e: {  	_ =	shalt  }
0x7f: {  	_ =	shalt  }
0x80: {  	_ =	shalt  }
0x81: {  	_ =	shalt  }
0x82: {  	_ =	shalt  }
0x83: {  	_ =	shalt  }
0x84: {  	_ =	shalt  }
0x85: {  	_ =	shalt  }
0x86: {  	_ =	shalt  }
0x87: {  	_ =	shalt  }
.Lfunc_end0:
.L_simem_size_0:
called_computation_lowered:
.L_overlay_start_0:
0x88: {  	s2 =	sld [smem:$0x3FD9]  }
0x89: {  	s3 =	sld [smem:$0x3FFE];
	_ =	sdelay $0x1  }
0x8a: {  	s1 =	srdreg.scid  }
0x8b: {  	s0 =	sand.u32 $0x1, s1  }
0x8c: {  	s17 =	sshll.u32 s0, $0xA;
	s2 =	sadd.s32 s3, s2  }
0x8d: {  	s2 =	sadd.s32 s2, s17  }
0x8e: {  	[smem:$0x3FC5] =	sst s2  }
0x8f: {  	_ = 	snop  }
0x90: {  	s2 =	sld [smem:$0x3FC9]  }
0x91: {  	s18 =	sld [smem:$0x3FD0];
	(tm) =	ssettm $0x1  }
0x92: {  	s4 =	sld [smem:$0x3FFB];
	_ =	sdelay $0x3  }
0x93: {  	_ =	strace s4  }
0x94: {  	s4 =	sld [smem:$0x3FFC];
	_ =	sdelay $0x3  }
0x95: {  	_ =	strace s4  }
0x96: {  	s4 =	sld [smem:$0x3FFD];
	_ =	sdelay $0x3  }
0x97: {  	_ =	strace s4  }
0x98: {  	_ =	strace $0x8FFFFFFF  }
0x99: {  	s19 =	sld [smem:$0x3FDB];
	_ =	sdelay $0x1  }
0x9a: {  	s5 =	simm.s32 $_scs_section_size  }
0x9b: {  	s6 =	simm.s32 $_size__tile_overlayer_lowered;
	s7 =	simm.s32 $_tile_overlayer_lowered  }
0x9c: {  	s22 =	simm.s32 $0x1BFF;
	s21 =	sshll.u32 s7, $0x1;
	s4 =	sadd.s32 s5, s19  }
0x9d: {  	s8 =	simm.s32 $0x0;
	s20 =	sshll.u32 s6, $0x1;
	s6 =	sadd.s32 s21, s4  }
0x9e: {  	[timem:s8], [sflag:s22] =	dma.local [hbm:s6], s20  }
0x9f: {  	_ =	swait.ge [sflag:s22], s20  }
0xa0: {  	s5 =	ssub.s32 $0x0, s20;
	[sflag:s22] =	ssyncset.done $0x0  }
0xa1: {  	[sflag:s22] =	ssyncadd.s32 s5;
	_ =	sdelay $0x1  }
0xa2: {  	s23 =	simm.s32 $0x1B8B  }
0xa3: {  	_ =	swait.ge [sflag:s23], $0x1  }
0xa4: {  	[sflag:s23] =	ssyncset.done $0x0  }
0xa5: {  	s25 =	simm.s32 $0x1B8E;
	s24 =	sld [smem:$0x3FFE];
	[sflag:s23] =	ssyncadd.s32 $0xFFFFFFFF  }
0xa6: {  	s26 =	simm.s32 $execute0_lowered;
	[smem:$0x3FD2] =	sst s25  }
0xa7: {  	s6 =	sshll.u32 s26, $0x1;
	_ =	strace $0x80000046;
	[dreg:$0x1] =	wrdreg $0xFFFFFFFF  }
0xa8: {  	s28 =	simm.s32 $_size_execute0_lowered;
	s4 =	sadd.s32 s4, s6;
	[dreg:$0x0] =	wrdreg $0x0  }
0xa9: {  	s6 =	sshll.u32 s28, $0x1;
	[dreg:$0x2] =	wrdreg s4  }
0xaa: {  	[dreg:$0x3] =	wrdreg s6  }
0xab: {  	[dreg:$0x4] =	wrdreg $0xC0  }
0xac: {  	_ =	task [dreg:s8], $0x5FFFF  }
0xad: {  	[dreg:$0x1] =	wrdreg $0xFFFFFFFF  }
0xae: {  	[dreg:$0x0] =	wrdreg $0x60  }
0xaf: {  	[dreg:$0x2] =	wrdreg s24  }
0xb0: {  	[dreg:$0x3] =	wrdreg s2  }
0xb1: {  	[dreg:$0x4] =	wrdreg s18  }
0xb2: {  	[dreg:$0x5] =	wrdreg $0x102000  }
0xb3: {  	[dreg:$0x6] =	wrdreg $0x9  }
0xb4: {  	_ =	task.clear_ibuf [dreg:s8], $0x7FFFF;
	_ =	strace $0x90000046  }
0xb5: {  	s29 =	simm.s32 $0x9;
	_ =	strace $0x80000048  }
0xb6: {  	_ =	swait.ge [sflag:s29], $0x1  }
0xb7: {  	[sflag:s29] =	ssyncadd.s32 $0xFFFFFFFF  }
0xb8: {  	_ =	strace $0x90000048  }
0xb9: {  	_ =	sfence  }
0xba: {  	s30 =	sld [smem:$0x0];
	_ =	sdelay $0x2  }
0xbb: {  	s31 =	sshll.u32 s1, $0xD;
	s1 =	sshrl.u32 s1, $0x2  }
0xbc: {  	s3 =	sand.u32 $0x4000, s31;
	s1 =	sadd.s32 s1, s30  }
0xbd: {  	s0 =	sor.u32 s3, s0;
	s1 =	sshll.u32 s1, $0x11  }
0xbe: {  	s0 =	sor.u32 s1, s0  }
0xbf: {  	s0 =	sadd.s32 $0x8F2B, s0  }
0xc0: {  	[sflag:s0] =	ssyncadd.remote.s32 $0x1  }
0xc1: {  	_ =	sfence.sel $0xFFFF  }
0xc2: {  	[dreg:$0x0] =	wrdreg $0xFFFFFFFF;
	(pc) =	sbr.abs _section_cstart, $3  }
0xc3: {  	[dreg:$0x1] =	wrdreg $0xFFFFFFFF  }
0xc4: {  	_ =	task.clear_ibuf [dreg:s8], $0x2FFFF;
	_ =	strace $0x9FFFFFFF  }
0xc5: {  	(tm) =	ssettm $0x7FFFFFFF  }
tec
execute0_lowered:
.L_overlay_start_1:
0x0: {  	(tag) =	ssettag $0x1  }
0x1: {  	s4 =	rddreg [dreg:$0x0]  }
0x2: {  	s6 =	rddreg [dreg:$0x1]  }
0x3: {  	s9 =	rddreg [dreg:$0x2]  }
0x4: {  	s3 =	rddreg [dreg:$0x3]  }
0x5: {  	s0 =	rddreg [dreg:$0x4];
	s2 =	simm.s32 $0x0;
	s1 =	stileid.u32  }
0x6: {  	s5 =	srdreg.scid;
	[smem:$0x7FF] =	sst s2;
	s7 =	sshll.u32 s1, $0xA  }
0x7: {  	s10 =	sand.u32 $0x1, s5;
	s8 =	sshll.u32 s1, $0xD;
	s30 =	sshll.u32 s1, $0x6  }
0x8: {  	_ =	strace $0x80000047;
	s4 =	sadd.s32 s7, s4;
	s5 =	sshll.u32 s10, $0x9  }
0x9: {  	s29 =	sadd.s32 s8, s3;
	s11 =	sor.u32 s5, s7;
	s4 =	sadd.s32 $0x400, s4  }
0xa: {  	s5 =	sor.u32 $0x1C01, s30;
	s7 =	sshrl.u32 s29, $0x3;
	s31 =	sshrl.u32 s11, $0x3  }
0xb: {  	[spmem:s7], [sflag:s5] =	dma.local [hbm:s4], $0x400  }
0xc: {  	s8 =	simm.s32 $0x4;
	s6 =	sadd.s32 s6, s31  }
0xd: {  	[tilespmem:s2], [sflag:$0x4] =	stream.linear.gather [hbm4b:s6+s2], $0x200, $0x38;
	[tilespmem:$0x12200] =	vst v63  }
0xe: {  	_ =	swait.ge [sflag:s8], $0x200  }
0xf: {  	[sflag:s8] =	ssyncset.done $0x0  }
0x10: {  	[sflag:s8] =	ssyncadd.s32 $0xFFFFFE00  }
0x11: {  	v0 =	vld [tilespmem:$0x1F0]  }
0x12: {  	v1 =	vld [tilespmem:$0x1E0]  }
0x13: {  	v2 =	vld [tilespmem:$0x160]  }
0x14: {  	v3 =	vld [tilespmem:$0x1D0]  }
0x15: {  	v4 =	vld [tilespmem:$0x1C0]  }
0x16: {  	v5 =	vld [tilespmem:$0x1B0];
	v0 =	vand.u32 $0x3FF, v0  }
0x17: {  	v6 =	vld [tilespmem:$0x190];
	v1 =	vand.u32 $0x3FF, v1;
	[tilespmem:$0x1F0] =	vst v0  }
0x18: {  	v31 =	vld [tilespmem:$0x180];
	v30 =	vand.u32 $0x3FF, v2;
	[tilespmem:$0x1E0] =	vst v1  }
0x19: {  	v34 =	vld [tilespmem:$0xE0];
	v33 =	vand.u32 $0x3FF, v3;
	[tilespmem:$0x160] =	vst v30  }
0x1a: {  	v40 =	vld [tilespmem:$0x100];
	v4 =	vand.u32 $0x3FF, v4;
	[tilespmem:$0x1D0] =	vst v33  }
0x1b: {  	v50 =	vld [tilespmem:$0x50];
	v5 =	vand.u32 $0x3FF, v5;
	[tilespmem:$0x1C0] =	vst v4  }
0x1c: {  	v51 =	vld [tilespmem:$0x40];
	v6 =	vand.u32 $0x3FF, v6;
	[tilespmem:$0x1B0] =	vst v5  }
0x1d: {  	v52 =	vld [tilespmem:$0x1A0];
	v2 =	vand.u32 $0x3FF, v31;
	[tilespmem:$0x190] =	vst v6  }
0x1e: {  	v53 =	vld [tilespmem:$0x20];
	v39 =	vand.u32 $0x3FF, v34;
	[tilespmem:$0x180] =	vst v2  }
0x1f: {  	v54 =	vld [tilespmem:$0x10];
	v3 =	vand.u32 $0x3FF, v40;
	[tilespmem:$0xE0] =	vst v39  }
0x20: {  	v59 =	vld [tilespmem:$0x0];
	v55 =	vand.u32 $0x3FF, v50;
	[tilespmem:$0x100] =	vst v3  }
0x21: {  	v32 =	vld [tilespmem:$0x170];
	v57 =	vand.u32 $0x3FF, v51;
	[tilespmem:$0x50] =	vst v55  }
0x22: {  	v35 =	vld [tilespmem:$0x150];
	v60 =	vand.u32 $0x3FF, v52;
	[tilespmem:$0x40] =	vst v57  }
0x23: {  	v36 =	vld [tilespmem:$0x140];
	v61 =	vand.u32 $0x3FF, v53;
	[tilespmem:$0x1A0] =	vst v60  }
0x24: {  	v37 =	vld [tilespmem:$0x130];
	v62 =	vand.u32 $0x3FF, v54;
	[tilespmem:$0x20] =	vst v61  }
0x25: {  	v38 =	vld [tilespmem:$0x110];
	v63 =	vand.u32 $0x3FF, v59;
	[tilespmem:$0x10] =	vst v62  }
0x26: {  	v42 =	vld [tilespmem:$0x30];
	v0 =	vand.u32 $0x3FF, v32;
	[tilespmem:$0x0] =	vst v63  }
0x27: {  	v47 =	vld [tilespmem:$0x90];
	v1 =	vand.u32 $0x3FF, v35;
	[tilespmem:$0x170] =	vst v0  }
0x28: {  	v41 =	vld [tilespmem:$0xF0];
	v4 =	vand.u32 $0x3FF, v36;
	[tilespmem:$0x150] =	vst v1  }
0x29: {  	v43 =	vld [tilespmem:$0xD0];
	v5 =	vand.u32 $0x3FF, v37;
	[tilespmem:$0x140] =	vst v4  }
0x2a: {  	v44 =	vld [tilespmem:$0xC0];
	v6 =	vand.u32 $0x3FF, v38;
	[tilespmem:$0x130] =	vst v5  }
0x2b: {  	v45 =	vld [tilespmem:$0xB0];
	v2 =	vand.u32 $0x3FF, v42;
	[tilespmem:$0x110] =	vst v6  }
0x2c: {  	v46 =	vld [tilespmem:$0xA0];
	v3 =	vand.u32 $0x3FF, v47;
	[tilespmem:$0x30] =	vst v2  }
0x2d: {  	v49 =	vld [tilespmem:$0x60];
	v0 =	vand.u32 $0x3FF, v41;
	[tilespmem:$0x90] =	vst v3  }
0x2e: {  	v48 =	vld [tilespmem:$0x80];
	v1 =	vand.u32 $0x3FF, v43;
	[tilespmem:$0xF0] =	vst v0  }
0x2f: {  	v56 =	vld [tilespmem:$0x120];
	v4 =	vand.u32 $0x3FF, v44;
	[tilespmem:$0xD0] =	vst v1  }
0x30: {  	v58 =	vld [tilespmem:$0x70];
	v5 =	vand.u32 $0x3FF, v45;
	[tilespmem:$0xC0] =	vst v4  }
0x31: {  	v6 =	vand.u32 $0x3FF, v46;
	[tilespmem:$0xB0] =	vst v5  }
0x32: {  	v2 =	vand.u32 $0x3FF, v49;
	[tilespmem:$0xA0] =	vst v6  }
0x33: {  	s14 =	simm.s32 $0x1;
	s20 =	simm.s32 $0x80;
	v0 =	vand.u32 $0x3FF, v48;
	[tilespmem:$0x60] =	vst v2  }
0x34: {  	s19 =	simm.s32 $0x200;
	s17 =	simm.s32 $0x4200;
	s10 =	ssub.s32 $0x2, s10;
	v1 =	vand.u32 $0x3FF, v56;
	[tilespmem:$0x80] =	vst v0  }
0x35: {  	s21 =	simm.s32 $0x100;
	s16 =	simm.s32 $0x8200;
	s12 =	sshrl.u32 s10, $0x1;
	v0 =	vand.u32 $0x3FF, v58;
	[tilespmem:$0x120] =	vst v1  }
0x36: {  	s22 =	simm.s32 $0x180;
	s18 =	simm.s32 $0x2;
	s15 =	ssub.s32 s10, s12;
	[tilespmem:$0x70] =	vst v0  }
0x37: {  	s11 =	sshll.u32 s11, $0x4;
	s23 =	smax.u32 s15, $0x1;
	_ =	swait.ge [sflag:s14], $0x400  }
0x38: {  	s13 =	sadd.s32 s9, s11;
	p0 =	sne.s32 s23, $0x1;
	[sflag:s14] =	ssyncset.done $0x0  }
.Ltmp0:
0x39: {  	s15 =	simm.s32 $0xC200;
	[sflag:s14] =	ssyncadd.s32 $0xFFFFFC00;
	(pc) =	sbr.rel @!p0 .LBB2_2-.Ltmp0, $4  }
0x3a: {  	s11 =	simm.s32 $0x3;
	s12 =	sadd.s32 $0x800, s13;
	[bflag:$0x0] =	sbarrier.arrive $0xFFFF  }
0x3b: {  	[tilespmem:s19], [sflag:$0x2] =	stream.indirect.gather [spmem:s3], $0x80, s2, s20, $0xb8;
	[tilespmem:$0x12200] =	vst v63  }
0x3c: {  	s10 =	sadd.s32 $0x1000, s13;
	s9 =	sadd.s32 $0x1800, s13;
	s23 =	sadd.s32 $0xFFFFFFFF, s23  }
0x3d: {  	[tilespmem:s17], [sflag:$0x2] =	stream.indirect.gather [spmem:s3], $0x80, s20, s20, $0xb8;
	[tilespmem:$0x12200] =	vst v63  }
.LBB2_1:
0x3e: {  	p0 =	sne.s32 s23, $0x1;
	s23 =	sadd.s32 $0xFFFFFFFF, s23  }
0x3f: {  	[tilespmem:s16], [sflag:$0x2] =	stream.indirect.gather [spmem:s3], $0x80, s21, s20, $0xb8;
	[tilespmem:$0x12200] =	vst v63  }
0x40: {  	_ = 	snop  }
0x41: {  	[tilespmem:s15], [sflag:$0x2] =	stream.indirect.gather [spmem:s3], $0x80, s22, s20, $0xb8;
	[tilespmem:$0x12200] =	vst v63  }
0x42: {  	_ =	swait.ge [sflag:s18], $0x4000  }
0x43: {  	[sflag:s18] =	ssyncset.done $0x0  }
0x44: {  	[sflag:s18] =	ssyncadd.s32 $0xFFFFC000  }
0x45: {  	[hbm4b:s13+s2] =	stream.linear.scatter [tilespmem:s19], [sflag:$0x3], $0x4000, $0x38;
	[tilespmem:$0x12200] =	vst v63  }
0x46: {  	_ =	swait.ge [sflag:s18], $0x4000  }
0x47: {  	[sflag:s18] =	ssyncset.done $0x0  }
0x48: {  	[sflag:s18] =	ssyncadd.s32 $0xFFFFC000  }
0x49: {  	[hbm4b:s12+s2] =	stream.linear.scatter [tilespmem:s17], [sflag:$0x3], $0x4000, $0x38;
	[tilespmem:$0x12200] =	vst v63  }
0x4a: {  	_ =	swait.ge [sflag:s18], $0x4000  }
0x4b: {  	[sflag:s18] =	ssyncset.done $0x0  }
0x4c: {  	[sflag:s18] =	ssyncadd.s32 $0xFFFFC000  }
0x4d: {  	[hbm4b:s10+s2] =	stream.linear.scatter [tilespmem:s16], [sflag:$0x3], $0x4000, $0x38;
	[tilespmem:$0x12200] =	vst v63  }
0x4e: {  	_ =	swait.ge [sflag:s18], $0x4000  }
0x4f: {  	[sflag:s18] =	ssyncset.done $0x0  }
0x50: {  	[sflag:s18] =	ssyncadd.s32 $0xFFFFC000  }
0x51: {  	[hbm4b:s9+s2] =	stream.linear.scatter [tilespmem:s15], [sflag:$0x3], $0x4000, $0x38;
	[tilespmem:$0x12200] =	vst v63  }
0x52: {  	_ =	swait.ge [sflag:s11], $0x4000  }
0x53: {  	[sflag:s11] =	ssyncset.done $0x0  }
0x54: {  	[sflag:s11] =	ssyncadd.s32 $0xFFFFC000  }
0x55: {  	_ =	swait.ge [sflag:s11], $0x4000  }
0x56: {  	[sflag:s11] =	ssyncset.done $0x0  }
0x57: {  	[sflag:s11] =	ssyncadd.s32 $0xFFFFC000  }
0x58: {  	_ =	swait.ge [sflag:s11], $0x4000  }
0x59: {  	[sflag:s11] =	ssyncset.done $0x0  }
0x5a: {  	[sflag:s11] =	ssyncadd.s32 $0xFFFFC000  }
0x5b: {  	_ =	swait.ge [sflag:s11], $0x4000  }
0x5c: {  	[sflag:s11] =	ssyncset.done $0x0  }
0x5d: {  	[sflag:s11] =	ssyncadd.s32 $0xFFFFC000  }
0x5e: {  	[spmem:s7], [sflag:s5] =	dma.local [hbm:s4], $0x400  }
0x5f: {  	[tilespmem:s2], [sflag:$0x4] =	stream.linear.gather [hbm4b:s6+s2], $0x200, $0x38;
	[tilespmem:$0x12200] =	vst v63  }
0x60: {  	_ =	swait.ge [sflag:s8], $0x200  }
0x61: {  	[sflag:s8] =	ssyncset.done $0x0  }
0x62: {  	[sflag:s8] =	ssyncadd.s32 $0xFFFFFE00  }
0x63: {  	v0 =	vld [tilespmem:$0x1F0]  }
0x64: {  	v1 =	vld [tilespmem:$0x1E0]  }
0x65: {  	v2 =	vld [tilespmem:$0x160]  }
0x66: {  	v3 =	vld [tilespmem:$0x1D0]  }
0x67: {  	v4 =	vld [tilespmem:$0x1C0]  }
0x68: {  	v5 =	vld [tilespmem:$0x1B0];
	v0 =	vand.u32 $0x3FF, v0  }
0x69: {  	v6 =	vld [tilespmem:$0x190];
	v1 =	vand.u32 $0x3FF, v1;
	[tilespmem:$0x1F0] =	vst v0  }
0x6a: {  	v0 =	vand.u32 $0x3FF, v2;
	v2 =	vld [tilespmem:$0x180];
	[tilespmem:$0x1E0] =	vst v1  }
0x6b: {  	[tilespmem:$0x160] =	vst v0;
	v0 =	vld [tilespmem:$0x170];
	v1 =	vand.u32 $0x3FF, v3  }
0x6c: {  	v3 =	vld [tilespmem:$0xE0];
	v4 =	vand.u32 $0x3FF, v4;
	[tilespmem:$0x1D0] =	vst v1  }
0x6d: {  	v1 =	vld [tilespmem:$0x150];
	v5 =	vand.u32 $0x3FF, v5;
	[tilespmem:$0x1C0] =	vst v4  }
0x6e: {  	v4 =	vld [tilespmem:$0x140];
	v6 =	vand.u32 $0x3FF, v6;
	[tilespmem:$0x1B0] =	vst v5  }
0x6f: {  	v5 =	vld [tilespmem:$0x130];
	v2 =	vand.u32 $0x3FF, v2;
	[tilespmem:$0x190] =	vst v6  }
0x70: {  	v6 =	vld [tilespmem:$0x110];
	v0 =	vand.u32 $0x3FF, v0;
	[tilespmem:$0x180] =	vst v2  }
0x71: {  	v2 =	vand.u32 $0x3FF, v3;
	v3 =	vld [tilespmem:$0x100];
	[tilespmem:$0x170] =	vst v0  }
0x72: {  	[tilespmem:$0xE0] =	vst v2;
	v0 =	vld [tilespmem:$0xF0];
	v1 =	vand.u32 $0x3FF, v1  }
0x73: {  	v2 =	vld [tilespmem:$0x30];
	v4 =	vand.u32 $0x3FF, v4;
	[tilespmem:$0x150] =	vst v1  }
0x74: {  	v1 =	vld [tilespmem:$0xD0];
	v5 =	vand.u32 $0x3FF, v5;
	[tilespmem:$0x140] =	vst v4  }
0x75: {  	v4 =	vld [tilespmem:$0xC0];
	v6 =	vand.u32 $0x3FF, v6;
	[tilespmem:$0x130] =	vst v5  }
0x76: {  	v5 =	vld [tilespmem:$0xB0];
	v3 =	vand.u32 $0x3FF, v3;
	[tilespmem:$0x110] =	vst v6  }
0x77: {  	v6 =	vld [tilespmem:$0xA0];
	v0 =	vand.u32 $0x3FF, v0;
	[tilespmem:$0x100] =	vst v3  }
0x78: {  	v2 =	vand.u32 $0x3FF, v2;
	v3 =	vld [tilespmem:$0x90];
	[tilespmem:$0xF0] =	vst v0  }
0x79: {  	[tilespmem:$0x30] =	vst v2;
	v0 =	vld [tilespmem:$0x80];
	v1 =	vand.u32 $0x3FF, v1  }
0x7a: {  	v2 =	vld [tilespmem:$0x60];
	v4 =	vand.u32 $0x3FF, v4;
	[tilespmem:$0xD0] =	vst v1  }
0x7b: {  	v1 =	vld [tilespmem:$0x50];
	v5 =	vand.u32 $0x3FF, v5;
	[tilespmem:$0xC0] =	vst v4  }
0x7c: {  	v4 =	vld [tilespmem:$0x40];
	v6 =	vand.u32 $0x3FF, v6;
	[tilespmem:$0xB0] =	vst v5  }
0x7d: {  	v3 =	vand.u32 $0x3FF, v3;
	[tilespmem:$0xA0] =	vst v6;
	v5 =	vld [tilespmem:$0x1A0]  }
0x7e: {  	v6 =	vld [tilespmem:$0x20];
	v0 =	vand.u32 $0x3FF, v0;
	[tilespmem:$0x90] =	vst v3  }
0x7f: {  	v3 =	vld [tilespmem:$0x10];
	v2 =	vand.u32 $0x3FF, v2;
	[tilespmem:$0x80] =	vst v0  }
0x80: {  	v0 =	vand.u32 $0x3FF, v1;
	[tilespmem:$0x60] =	vst v2;
	v1 =	vld [tilespmem:$0x120]  }
0x81: {  	v2 =	vand.u32 $0x3FF, v4;
	[tilespmem:$0x50] =	vst v0;
	v0 =	vld [tilespmem:$0x70]  }
0x82: {  	v4 =	vld [tilespmem:$0x0];
	[tilespmem:$0x40] =	vst v2;
	v2 =	vand.u32 $0x3FF, v5  }
0x83: {  	v5 =	vand.u32 $0x3FF, v6;
	[tilespmem:$0x1A0] =	vst v2  }
0x84: {  	v2 =	vand.u32 $0x3FF, v3;
	[tilespmem:$0x20] =	vst v5  }
0x85: {  	[tilespmem:$0x10] =	vst v2;
	v1 =	vand.u32 $0x3FF, v1  }
0x86: {  	v0 =	vand.u32 $0x3FF, v0;
	[tilespmem:$0x120] =	vst v1  }
0x87: {  	v1 =	vand.u32 $0x3FF, v4;
	[tilespmem:$0x70] =	vst v0  }
0x88: {  	[tilespmem:$0x0] =	vst v1  }
0x89: {  	_ =	swait.ge [sflag:s14], $0x400  }
0x8a: {  	[sflag:s14] =	ssyncset.done $0x0  }
.Ltmp1:
0x8b: {  	[sflag:s14] =	ssyncadd.s32 $0xFFFFFC00;
	(pc) =	sbr.rel @p0 .LBB2_1-.Ltmp1, $4  }
0x8c: {  	[bflag:$0x0] =	sbarrier.arrive $0xFFFF  }
0x8d: {  	[tilespmem:s19], [sflag:$0x2] =	stream.indirect.gather [spmem:s3], $0x80, s2, s20, $0xb8;
	[tilespmem:$0x12200] =	vst v63  }
0x8e: {  	_ = 	snop  }
0x8f: {  	[tilespmem:s17], [sflag:$0x2] =	stream.indirect.gather [spmem:s3], $0x80, s20, s20, $0xb8;
	[tilespmem:$0x12200] =	vst v63  }
.LBB2_2:
0x90: {  	[tilespmem:s16], [sflag:$0x2] =	stream.indirect.gather [spmem:s3], $0x80, s21, s20, $0xb8;
	[tilespmem:$0x12200] =	vst v63  }
0x91: {  	_ = 	snop  }
0x92: {  	[tilespmem:s15], [sflag:$0x2] =	stream.indirect.gather [spmem:s3], $0x80, s22, s20, $0xb8;
	[tilespmem:$0x12200] =	vst v63  }
0x93: {  	_ =	swait.ge [sflag:s18], $0x4000  }
0x94: {  	[sflag:s18] =	ssyncset.done $0x0  }
0x95: {  	[sflag:s18] =	ssyncadd.s32 $0xFFFFC000  }
0x96: {  	[hbm4b:s13+s2] =	stream.linear.scatter [tilespmem:s19], [sflag:$0x3], $0x4000, $0x38;
	[tilespmem:$0x12200] =	vst v63  }
0x97: {  	_ =	swait.ge [sflag:s18], $0x4000  }
0x98: {  	[sflag:s18] =	ssyncset.done $0x0  }
0x99: {  	[sflag:s18] =	ssyncadd.s32 $0xFFFFC000  }
0x9a: {  	[hbm4b:s12+s2] =	stream.linear.scatter [tilespmem:s17], [sflag:$0x3], $0x4000, $0x38;
	[tilespmem:$0x12200] =	vst v63  }
0x9b: {  	_ =	swait.ge [sflag:s18], $0x4000  }
0x9c: {  	[sflag:s18] =	ssyncset.done $0x0  }
0x9d: {  	[sflag:s18] =	ssyncadd.s32 $0xFFFFC000  }
0x9e: {  	[hbm4b:s10+s2] =	stream.linear.scatter [tilespmem:s16], [sflag:$0x3], $0x4000, $0x38;
	[tilespmem:$0x12200] =	vst v63  }
0x9f: {  	_ =	swait.ge [sflag:s18], $0x4000  }
0xa0: {  	[sflag:s18] =	ssyncset.done $0x0  }
0xa1: {  	[sflag:s18] =	ssyncadd.s32 $0xFFFFC000  }
0xa2: {  	[hbm4b:s9+s2] =	stream.linear.scatter [tilespmem:s15], [sflag:$0x3], $0x4000, $0x38;
	[tilespmem:$0x12200] =	vst v63  }
0xa3: {  	_ =	swait.ge [sflag:s11], $0x4000  }
0xa4: {  	[sflag:s11] =	ssyncset.done $0x0  }
0xa5: {  	[sflag:s11] =	ssyncadd.s32 $0xFFFFC000  }
0xa6: {  	_ =	swait.ge [sflag:s11], $0x4000  }
0xa7: {  	[sflag:s11] =	ssyncset.done $0x0  }
0xa8: {  	[sflag:s11] =	ssyncadd.s32 $0xFFFFC000  }
0xa9: {  	_ =	swait.ge [sflag:s11], $0x4000  }
0xaa: {  	[sflag:s11] =	ssyncset.done $0x0  }
0xab: {  	[sflag:s11] =	ssyncadd.s32 $0xFFFFC000  }
0xac: {  	_ =	swait.ge [sflag:s11], $0x4000  }
0xad: {  	[sflag:s11] =	ssyncset.done $0x0  }
0xae: {  	[sflag:s11] =	ssyncadd.s32 $0xFFFFC000  }
0xaf: {  	_ =	sfence.sel $0x180000  }
0xb0: {  	[bflag:$0x0] =	sbarrier.arrive $0xFFFF  }
0xb1: {  	p0 =	sne.s32 s1, $0x0;
	_ =	strace $0x90000047  }
0xb2: {  	s0 =	sadd.s32 @!p0 $0x100000, s0;
	[bflag:$0x2] =	sbarrier.arrive $0xFFFF  }
0xb3: {  	[sflag:s0] =	ssyncadd.tile.s32 @!p0 $0x1;
	_ =	shalt  }
.Lfunc_end2:
_tile_overlayer_lowered:
.L_overlay_start_2:
0xb4: {  	(tag) =	ssettag $0x2  }
0xb5: {  	s0 =	rddreg [dreg:$0x0];
	s2 =	stileid.u32  }
0xb6: {  	s1 =	rddreg [dreg:$0x1];
	p0 =	sne.s32 s2, $0x0  }
0xb7: {  	s3 =	rddreg [dreg:$0x2];
	[bflag:$0x3] =	sbarrier.arrive $0xFFFF;
	s2 =	simm.s32 @!p0 $0x1C04  }
0xb8: {  	[timem:s3], [sflag:s2] =	dma.local @!p0 [hbm:s0], s1  }
0xb9: {  	s0 =	simm.s32 @!p0 $0x4  }
0xba: {  	_ =	swait.ge @!p0 [sflag:s0], s1  }
0xbb: {  	s1 =	ssub.s32 @!p0 $0x0, s1;
	[sflag:s0] =	ssyncset.done @!p0 $0x0  }
0xbc: {  	[sflag:s0] =	ssyncadd.s32 @!p0 s1  }
0xbd: {  	[bflag:$0x3] =	sbarrier.arrive $0xFFFF  }
0xbe: {  	_ =	shalt  }

</sc_bundles>
